<compile_context>
chip_gen: v7x
topology: tpu7x:2x2x1
jax: 0.10.2.dev20260603
libtpu: 0.0.44.dev20260713+nightly
codegen_flags: <defaults>
</compile_context>

<pallas_src>
import functools

import jax
import jax.numpy as jnp
from jax import lax
from jax.experimental import pallas as pl
from jax.experimental.pallas import tpu as pltpu
from jax.experimental.pallas import tpu_sc as plsc

_NC = 2
_NS = 16
_NW = _NC * _NS
_L = 16

_CHUNK = 128
_ZB = 512
_SLAB = 53 * _CHUNK
_C0_NUM, _C0_DEN = 3, 5


def _split_chunks(total_chunks):
    c0 = (total_chunks * _C0_NUM + _C0_DEN - 1) // _C0_DEN
    return c0, total_chunks - c0


def _sc_segment_sum(x_pad, src, dst, n_pad, ew0, ew1):
    d = x_pad.shape[1]
    chunk = _CHUNK
    pair = ew0 + ew1
    rpt = n_pad // _NS

    mesh = plsc.VectorSubcoreMesh(core_axis_name="c", subcore_axis_name="s")

    @functools.partial(
        pl.kernel,
        out_type=(
            jax.ShapeDtypeStruct((_NC, n_pad, d), jnp.float32),
            jax.ShapeDtypeStruct((_NW, n_pad), jnp.float32),
        ),
        mesh=mesh,
        scratch_types=(
            pltpu.VMEM((_SLAB,), jnp.int32),
            pltpu.VMEM((_SLAB,), jnp.int32),
            pltpu.VMEM((chunk, d), jnp.float32),
            pltpu.VMEM((_ZB,), jnp.float32),
            pltpu.VMEM((chunk,), jnp.float32),
            pltpu.VMEM_SHARED((n_pad, d), jnp.float32),
            pltpu.VMEM_SHARED((_NS * n_pad,), jnp.float32),
            pltpu.SemaphoreType.DMA,
        ),
    )
    def run(x_hbm, src_hbm, dst_hbm, acc_hbm, deg_hbm,
            srcall, dstall, rows, zbuf, onesbuf, acc_sh, deg_sh, sem):
        c = lax.axis_index("c")
        s = lax.axis_index("s")
        w = s * _NC + c

        zero16 = jnp.zeros((_L,), jnp.float32)
        one16 = jnp.ones((_L,), jnp.float32)

        @pl.loop(0, chunk)
        def _(i):
            for j in range(d // _L):
                rows[i, pl.ds(j * _L, _L)] = zero16

        @pl.loop(0, _ZB // _L)
        def _(i):
            zbuf[pl.ds(i * _L, _L)] = zero16

        @pl.loop(0, chunk // _L)
        def _(i):
            onesbuf[pl.ds(i * _L, _L)] = one16

        base = s * rpt
        off = 0
        while off < rpt:
            step = min(chunk, rpt - off)
            pltpu.sync_copy(rows.at[pl.ds(0, step)],
                            acc_sh.at[pl.ds(base + off, step)])
            off += step
        dbase = s * n_pad
        off = 0
        while off < n_pad:
            step = min(_ZB, n_pad - off)
            pltpu.sync_copy(zbuf.at[pl.ds(0, step)],
                            deg_sh.at[pl.ds(dbase + off, step)])
            off += step
        plsc.subcore_barrier()

        degref = deg_sh.at[pl.ds(dbase, n_pad)]

        def process(ebase, nch):
            done = 0
            while done < nch:
                take = min(_SLAB // chunk, nch - done)
                eoff = ebase + done * chunk
                pltpu.sync_copy(src_hbm.at[pl.ds(eoff, take * chunk)],
                                srcall.at[pl.ds(0, take * chunk)])
                pltpu.sync_copy(dst_hbm.at[pl.ds(eoff, take * chunk)],
                                dstall.at[pl.ds(0, take * chunk)])

                @pl.loop(0, take)
                def _(ci):
                    sidx = srcall.at[pl.ds(ci * chunk, chunk)]
                    didx = dstall.at[pl.ds(ci * chunk, chunk)]
                    pltpu.async_copy(x_hbm.at[sidx], rows, sem).wait()
                    pltpu.sync_copy(rows, acc_sh.at[didx], add=True)
                    pltpu.sync_copy(onesbuf, degref.at[didx], add=True)

                done += take

        @pl.when(c == 0)
        def _():
            process(s * pair, ew0 // chunk)

        @pl.when(c == 1)
        def _():
            process(s * pair + ew0, ew1 // chunk)

        plsc.subcore_barrier()
        pltpu.sync_copy(acc_sh.at[pl.ds(base, rpt)],
                        acc_hbm.at[c, pl.ds(base, rpt)])
        pltpu.sync_copy(deg_sh.at[pl.ds(dbase, n_pad)], deg_hbm.at[w])

    return run(x_pad, src, dst)


def _tc_combine(x_pad, W, b2, acc, deg):
    n_pad, d = x_pad.shape
    o = W.shape[1]
    bm = 2048 if n_pad % 2048 == 0 else 128

    def body(x_ref, w_ref, b_ref, acc_ref, deg_ref, o_ref):
        xb = x_ref[...]
        a = acc_ref[0] + acc_ref[1]
        dg = jnp.sum(deg_ref[...], axis=0)
        neigh = a / jnp.clip(dg, 1.0, None)[:, None]
        w1 = w_ref[pl.ds(0, d), :]
        w2 = w_ref[pl.ds(d, d), :]
        o_ref[...] = (
            jnp.dot(xb, w1, preferred_element_type=jnp.float32)
            + jnp.dot(neigh, w2, preferred_element_type=jnp.float32)
            + b_ref[...]
        )

    return pl.pallas_call(
        body,
        grid=(n_pad // bm,),
        in_specs=[
            pl.BlockSpec((bm, d), lambda i: (i, 0)),
            pl.BlockSpec((2 * d, o), lambda i: (0, 0)),
            pl.BlockSpec((1, o), lambda i: (0, 0)),
            pl.BlockSpec((_NC, bm, d), lambda i: (0, i, 0)),
            pl.BlockSpec((_NW, bm), lambda i: (0, i)),
        ],
        out_specs=pl.BlockSpec((bm, o), lambda i: (i, 0)),
        out_shape=jax.ShapeDtypeStruct((n_pad, o), jnp.float32),
    )(x_pad, W, b2, acc, deg)


def kernel(x, edge_index, W, b):
    n, d = x.shape
    granule = _NS * 128
    n_pad = ((n + granule - 1) // granule) * granule
    if n_pad == n:
        n_pad += granule
    x_pad = jnp.pad(x, ((0, n_pad - n), (0, 0)))
    src = edge_index[0].astype(jnp.int32)
    dst = edge_index[1].astype(jnp.int32)
    e = src.shape[0]
    pair_chunks = -(-e // (_NS * _CHUNK))
    c0, c1 = _split_chunks(pair_chunks)
    ew0, ew1 = c0 * _CHUNK, c1 * _CHUNK
    e_p = _NS * (ew0 + ew1)
    if e_p != e:
        src = jnp.pad(src, (0, e_p - e))
        dst = jnp.pad(dst, (0, e_p - e), constant_values=n)
    acc, deg = _sc_segment_sum(x_pad, src, dst, n_pad, ew0, ew1)
    out = _tc_combine(x_pad, W, b.reshape(1, -1), acc, deg)
    return out[:n]

# --- scband reference (transcript-rebuilt; emitter-appended) ---
"""Pipeline reference for scband-graph-sagelayer-55963423867334 (READ-ONLY COPY).

The authoritative reference and input builder live on the scoring server;
editing this copy changes nothing except your own understanding.
"""

import jax, jax.numpy as jnp
import numpy as np

N = 10000
E = 320000
D = 128
O = 128

def setup_inputs(seed: int = 0) -> dict:
    key = jax.random.key(seed)
    k1, k2, k3, k4 = jax.random.split(key, 4)
    x = jax.random.normal(k1, (N, D), dtype=jnp.float32)
    edge_index = jax.random.randint(k2, (2, E), 0, N, dtype=jnp.int64) if jax.config.jax_enable_x64 else jax.random.randint(k2, (2, E), 0, N, dtype=jnp.int32)
    # Linear(2*in_features, out_features): W [2*D, O], b [O]
    W = jax.random.normal(k3, (2 * D, O), dtype=jnp.float32) * (1.0 / np.sqrt(2 * D))
    b = jax.random.normal(k4, (O,), dtype=jnp.float32) * (1.0 / np.sqrt(2 * D))
    return {"x": x, "edge_index": edge_index, "W": W, "b": b}

def reference(x, edge_index, W, b):
    # adj is a (row-normalized) sparse adjacency; sparse.mm(adj, x) == mean of
    # neighbor features per destination node.
    src = edge_index[0]
    dst = edge_index[1]
    msgs = jnp.take(x, src, axis=0)                              # gather [E, D]
    summed = jax.ops.segment_sum(msgs, dst, num_segments=N)      # scatter-add [N, D]
    deg = jax.ops.segment_sum(jnp.ones((E,), dtype=x.dtype), dst, num_segments=N)
    neigh_feat = summed / jnp.clip(deg, 1.0, None)[:, None]      # mean aggregator
    combined = jnp.concatenate([x, neigh_feat], axis=1)          # [N, 2*D]
    out = combined @ W + b                                       # Linear
    return out

if __name__ == "__main__":
    import jax
    _d = setup_inputs()
    print(jax.jit(kernel)(*tuple(_d.values())))

</pallas_src>

<mosaic_0001>
#map = affine_map<(d0, d1) -> (0, 0)>
#map1 = affine_map<(d0, d1) -> (0)>
#map2 = affine_map<(d0, d1) -> (0, 0, 0)>
module attributes {stable_mosaic.version = 14 : i64} {
  func.func @run(%arg0: i32, %arg1: i32, %arg2: memref<10240x128xf32, #tpu.memory_space<hbm>>, %arg3: memref<321536xi32, #tpu.memory_space<hbm>>, %arg4: memref<321536xi32, #tpu.memory_space<hbm>>, %arg5: memref<2x10240x128xf32, #tpu.memory_space<hbm>>, %arg6: memref<32x10240xf32, #tpu.memory_space<hbm>>, %arg7: memref<6784xi32, #tpu.memory_space<vmem>>, %arg8: memref<6784xi32, #tpu.memory_space<vmem>>, %arg9: memref<128x128xf32, #tpu.memory_space<vmem>>, %arg10: memref<512xf32, #tpu.memory_space<vmem>>, %arg11: memref<128xf32, #tpu.memory_space<vmem>>, %arg12: memref<10240x128xf32, #tpu.memory_space<vmem_shared>>, %arg13: memref<163840xf32, #tpu.memory_space<vmem_shared>>, %arg14: memref<!tpu.dma_semaphore, #tpu.memory_space<semaphore_mem>>) attributes {dimension_semantics = [#tpu.dimension_semantics<core_parallel>, #tpu.dimension_semantics<subcore_parallel>], iteration_bounds = array<i64: 2, 16>, scalar_prefetch = 0 : i64, scratch_operands = 8 : i64, tpu.core_type = #tpu.core_type<sc_vector_subcore>, window_params = [{transform_indices = #map}, {transform_indices = #map1}, {transform_indices = #map1}, {transform_indices = #map2}, {transform_indices = #map}]} {
    %mul3A = arith.constant 2 : i32
    %mul3A_0 = arith.muli %arg1, %mul3A : i32
    %add3A = arith.addi %mul3A_0, %arg0 : i32
    %broadcast_in_dim3A = arith.constant 0.000000e+00 : f32
    %broadcast_in_dim3A_1 = vector.broadcast %broadcast_in_dim3A : f32 to vector<16xf32>
    %broadcast_in_dim3A_2 = arith.constant 1.000000e+00 : f32
    %broadcast_in_dim3A_3 = vector.broadcast %broadcast_in_dim3A_2 : f32 to vector<16xf32>
    %scan3A = arith.constant 0 : i32
    %scan3A_4 = arith.constant 128 : i32
    %scan3A_5 = arith.addi %scan3A, %scan3A_4 : i32
    %scan3A_6 = arith.constant 1 : i32
    scf.for %scan3A_80 = %scan3A to %scan3A_5 step %scan3A_6  : i32 {
      %mul3A_81 = arith.constant 1 : i32
      %mul3A_82 = arith.muli %scan3A_80, %mul3A_81 : i32
      %add3A_83 = arith.constant 0 : i32
      %add3A_84 = arith.addi %add3A_83, %mul3A_82 : i32
      %swap3A = arith.index_cast %add3A_84 : i32 to index
      %swap3A_85 = arith.constant 0 : index
      %swap3A_86 = tpu.vector_load %arg9[%swap3A, %swap3A_85] {strides = array<i32>} : memref<128x128xf32, #tpu.memory_space<vmem>>, vector<1x16xf32>,
      %swap3A_87 = vector.shape_cast %swap3A_86 : vector<1x16xf32> to vector<16xf32>
      %swap3A_88 = vector.shape_cast %broadcast_in_dim3A_1 : vector<16xf32> to vector<1x16xf32>
      tpu.vector_store %arg9[%swap3A, %swap3A_85], %swap3A_88 {strides = array<i32>} : memref<128x128xf32, #tpu.memory_space<vmem>>, vector<1x16xf32>,
      %swap3A_89 = arith.index_cast %add3A_84 : i32 to index
      %swap3A_90 = arith.constant 16 : index
      %swap3A_91 = tpu.vector_load %arg9[%swap3A_89, %swap3A_90] {strides = array<i32>} : memref<128x128xf32, #tpu.memory_space<vmem>>, vector<1x16xf32>,
      %swap3A_92 = vector.shape_cast %swap3A_91 : vector<1x16xf32> to vector<16xf32>
      %swap3A_93 = vector.shape_cast %broadcast_in_dim3A_1 : vector<16xf32> to vector<1x16xf32>
      tpu.vector_store %arg9[%swap3A_89, %swap3A_90], %swap3A_93 {strides = array<i32>} : memref<128x128xf32, #tpu.memory_space<vmem>>, vector<1x16xf32>,
      %swap3A_94 = arith.index_cast %add3A_84 : i32 to index
      %swap3A_95 = arith.constant 32 : index
      %swap3A_96 = tpu.vector_load %arg9[%swap3A_94, %swap3A_95] {strides = array<i32>} : memref<128x128xf32, #tpu.memory_space<vmem>>, vector<1x16xf32>,
      %swap3A_97 = vector.shape_cast %swap3A_96 : vector<1x16xf32> to vector<16xf32>
      %swap3A_98 = vector.shape_cast %broadcast_in_dim3A_1 : vector<16xf32> to vector<1x16xf32>
      tpu.vector_store %arg9[%swap3A_94, %swap3A_95], %swap3A_98 {strides = array<i32>} : memref<128x128xf32, #tpu.memory_space<vmem>>, vector<1x16xf32>,
      %swap3A_99 = arith.index_cast %add3A_84 : i32 to index
      %swap3A_100 = arith.constant 48 : index
      %swap3A_101 = tpu.vector_load %arg9[%swap3A_99, %swap3A_100] {strides = array<i32>} : memref<128x128xf32, #tpu.memory_space<vmem>>, vector<1x16xf32>,
      %swap3A_102 = vector.shape_cast %swap3A_101 : vector<1x16xf32> to vector<16xf32>
      %swap3A_103 = vector.shape_cast %broadcast_in_dim3A_1 : vector<16xf32> to vector<1x16xf32>
      tpu.vector_store %arg9[%swap3A_99, %swap3A_100], %swap3A_103 {strides = array<i32>} : memref<128x128xf32, #tpu.memory_space<vmem>>, vector<1x16xf32>,
      %swap3A_104 = arith.index_cast %add3A_84 : i32 to index
      %swap3A_105 = arith.constant 64 : index
      %swap3A_106 = tpu.vector_load %arg9[%swap3A_104, %swap3A_105] {strides = array<i32>} : memref<128x128xf32, #tpu.memory_space<vmem>>, vector<1x16xf32>,
      %swap3A_107 = vector.shape_cast %swap3A_106 : vector<1x16xf32> to vector<16xf32>
      %swap3A_108 = vector.shape_cast %broadcast_in_dim3A_1 : vector<16xf32> to vector<1x16xf32>
      tpu.vector_store %arg9[%swap3A_104, %swap3A_105], %swap3A_108 {strides = array<i32>} : memref<128x128xf32, #tpu.memory_space<vmem>>, vector<1x16xf32>,
      %swap3A_109 = arith.index_cast %add3A_84 : i32 to index
      %swap3A_110 = arith.constant 80 : index
      %swap3A_111 = tpu.vector_load %arg9[%swap3A_109, %swap3A_110] {strides = array<i32>} : memref<128x128xf32, #tpu.memory_space<vmem>>, vector<1x16xf32>,
      %swap3A_112 = vector.shape_cast %swap3A_111 : vector<1x16xf32> to vector<16xf32>
      %swap3A_113 = vector.shape_cast %broadcast_in_dim3A_1 : vector<16xf32> to vector<1x16xf32>
      tpu.vector_store %arg9[%swap3A_109, %swap3A_110], %swap3A_113 {strides = array<i32>} : memref<128x128xf32, #tpu.memory_space<vmem>>, vector<1x16xf32>,
      %swap3A_114 = arith.index_cast %add3A_84 : i32 to index
      %swap3A_115 = arith.constant 96 : index
      %swap3A_116 = tpu.vector_load %arg9[%swap3A_114, %swap3A_115] {strides = array<i32>} : memref<128x128xf32, #tpu.memory_space<vmem>>, vector<1x16xf32>,
      %swap3A_117 = vector.shape_cast %swap3A_116 : vector<1x16xf32> to vector<16xf32>
      %swap3A_118 = vector.shape_cast %broadcast_in_dim3A_1 : vector<16xf32> to vector<1x16xf32>
      tpu.vector_store %arg9[%swap3A_114, %swap3A_115], %swap3A_118 {strides = array<i32>} : memref<128x128xf32, #tpu.memory_space<vmem>>, vector<1x16xf32>,
      %swap3A_119 = arith.index_cast %add3A_84 : i32 to index
      %swap3A_120 = arith.constant 112 : index
      %swap3A_121 = tpu.vector_load %arg9[%swap3A_119, %swap3A_120] {strides = array<i32>} : memref<128x128xf32, #tpu.memory_space<vmem>>, vector<1x16xf32>,
      %swap3A_122 = vector.shape_cast %swap3A_121 : vector<1x16xf32> to vector<16xf32>
      %swap3A_123 = vector.shape_cast %broadcast_in_dim3A_1 : vector<16xf32> to vector<1x16xf32>
      tpu.vector_store %arg9[%swap3A_119, %swap3A_120], %swap3A_123 {strides = array<i32>} : memref<128x128xf32, #tpu.memory_space<vmem>>, vector<1x16xf32>,
    }
    %scan3A_7 = arith.constant 128 : i32
    %scan3A_8 = arith.constant 0 : i32
    %scan3A_9 = arith.constant 32 : i32
    %scan3A_10 = arith.addi %scan3A_8, %scan3A_9 : i32
    %scan3A_11 = arith.constant 1 : i32
    scf.for %scan3A_80 = %scan3A_8 to %scan3A_10 step %scan3A_11  : i32 {
      %mul3A_81 = arith.constant 1 : i32
      %mul3A_82 = arith.muli %scan3A_80, %mul3A_81 : i32
      %add3A_83 = arith.constant 0 : i32
      %add3A_84 = arith.addi %add3A_83, %mul3A_82 : i32
      %mul3A_85 = arith.constant 16 : i32
      %mul3A_86 = arith.muli %add3A_84, %mul3A_85 : i32
      %swap3A = arith.index_cast %mul3A_86 : i32 to index
      %swap3A_87 = tpu.vector_load %arg10[%swap3A] {strides = array<i32>} : memref<512xf32, #tpu.memory_space<vmem>>, vector<16xf32>,
      %swap3A_88 = vector.shape_cast %swap3A_87 : vector<16xf32> to vector<16xf32>
      %swap3A_89 = vector.shape_cast %broadcast_in_dim3A_1 : vector<16xf32> to vector<16xf32>
      tpu.vector_store %arg10[%swap3A], %swap3A_89 {strides = array<i32>} : memref<512xf32, #tpu.memory_space<vmem>>, vector<16xf32>,
    }
    %scan3A_12 = arith.constant 32 : i32
    %scan3A_13 = arith.constant 0 : i32
    %scan3A_14 = arith.constant 8 : i32
    %scan3A_15 = arith.addi %scan3A_13, %scan3A_14 : i32
    %scan3A_16 = arith.constant 1 : i32
    scf.for %scan3A_80 = %scan3A_13 to %scan3A_15 step %scan3A_16  : i32 {
      %mul3A_81 = arith.constant 1 : i32
      %mul3A_82 = arith.muli %scan3A_80, %mul3A_81 : i32
      %add3A_83 = arith.constant 0 : i32
      %add3A_84 = arith.addi %add3A_83, %mul3A_82 : i32
      %mul3A_85 = arith.constant 16 : i32
      %mul3A_86 = arith.muli %add3A_84, %mul3A_85 : i32
      %swap3A = arith.index_cast %mul3A_86 : i32 to index
      %swap3A_87 = tpu.vector_load %arg11[%swap3A] {strides = array<i32>} : memref<128xf32, #tpu.memory_space<vmem>>, vector<16xf32>,
      %swap3A_88 = vector.shape_cast %swap3A_87 : vector<16xf32> to vector<16xf32>
      %swap3A_89 = vector.shape_cast %broadcast_in_dim3A_3 : vector<16xf32> to vector<16xf32>
      tpu.vector_store %arg11[%swap3A], %swap3A_89 {strides = array<i32>} : memref<128xf32, #tpu.memory_space<vmem>>, vector<16xf32>,
    }
    %scan3A_17 = arith.constant 8 : i32
    %mul3A_18 = arith.constant 640 : i32
    %mul3A_19 = arith.muli %arg1, %mul3A_18 : i32
    %add3A_20 = arith.constant 0 : i32
    %add3A_21 = arith.addi %mul3A_19, %add3A_20 : i32
    "tpu.region"() ({
      %run_scoped3A = tpu.sem_alloc : memref<!tpu.dma_semaphore, #tpu.memory_space<semaphore_mem>>
      %dma_start3A = arith.constant 0 : i32
      %dma_start3A_80 = arith.constant 0 : i32
      %dma_start3A_81 = tpu.memref_slice %arg9[%dma_start3A, %dma_start3A_80] : memref<128x128xf32, #tpu.memory_space<vmem>> -> memref<128x128xf32, #tpu.memory_space<vmem>>
      %dma_start3A_82 = arith.constant 0 : i32
      %dma_start3A_83 = tpu.memref_slice %arg12[%add3A_21, %dma_start3A_82] : memref<10240x128xf32, #tpu.memory_space<vmem_shared>> -> memref<128x128xf32, #tpu.memory_space<vmem_shared>>
      %dma_start3A_84 = arith.constant 0 : i32
      %dma_start3A_85 = tpu.memref_slice %arg12[%add3A_21, %dma_start3A_84] : memref<10240x128xf32, #tpu.memory_space<vmem_shared>> -> memref<128x128xf32, #tpu.memory_space<vmem_shared>>
      %dma_start3A_86 = arith.constant 0 : i32
      %dma_start3A_87 = arith.constant 0 : i32
      %dma_start3A_88 = tpu.memref_slice %arg9[%dma_start3A_86, %dma_start3A_87] : memref<128x128xf32, #tpu.memory_space<vmem>> -> memref<128x128xf32, #tpu.memory_space<vmem>>
      tpu.enqueue_dma source(%dma_start3A_88 : memref<128x128xf32, #tpu.memory_space<vmem>>) target(%dma_start3A_85 : memref<128x128xf32, #tpu.memory_space<vmem_shared>>) target_semaphore(%run_scoped3A : memref<!tpu.dma_semaphore, #tpu.memory_space<semaphore_mem>>)
      %dma_wait3A = arith.constant 0 : i32
      %dma_wait3A_89 = arith.constant 0 : i32
      %dma_wait3A_90 = tpu.memref_slice %arg9[%dma_wait3A, %dma_wait3A_89] : memref<128x128xf32, #tpu.memory_space<vmem>> -> memref<128x128xf32, #tpu.memory_space<vmem>>
      %dma_wait3A_91 = arith.constant 0 : i32
      %dma_wait3A_92 = tpu.memref_slice %arg12[%add3A_21, %dma_wait3A_91] : memref<10240x128xf32, #tpu.memory_space<vmem_shared>> -> memref<128x128xf32, #tpu.memory_space<vmem_shared>>
      %dma_wait3A_93 = arith.constant 0 : i32
      %dma_wait3A_94 = tpu.memref_slice %arg12[%add3A_21, %dma_wait3A_93] : memref<10240x128xf32, #tpu.memory_space<vmem_shared>> -> memref<128x128xf32, #tpu.memory_space<vmem_shared>>
      %dma_wait3A_95 = arith.constant 0 : i32
      %dma_wait3A_96 = arith.constant 0 : i32
      %dma_wait3A_97 = tpu.memref_slice %arg9[%dma_wait3A_95, %dma_wait3A_96] : memref<128x128xf32, #tpu.memory_space<vmem>> -> memref<128x128xf32, #tpu.memory_space<vmem>>
      tpu.wait_dma2 semaphore(%run_scoped3A : memref<!tpu.dma_semaphore, #tpu.memory_space<semaphore_mem>>) src(%dma_wait3A_97 : memref<128x128xf32, #tpu.memory_space<vmem>>) dst(%dma_wait3A_94 : memref<128x128xf32, #tpu.memory_space<vmem_shared>>)
      tpu.yield
    }) : () -> ()
    %add3A_22 = arith.constant 128 : i32
    %add3A_23 = arith.addi %mul3A_19, %add3A_22 : i32
    "tpu.region"() ({
      %run_scoped3A = tpu.sem_alloc : memref<!tpu.dma_semaphore, #tpu.memory_space<semaphore_mem>>
      %dma_start3A = arith.constant 0 : i32
      %dma_start3A_80 = arith.constant 0 : i32
      %dma_start3A_81 = tpu.memref_slice %arg9[%dma_start3A, %dma_start3A_80] : memref<128x128xf32, #tpu.memory_space<vmem>> -> memref<128x128xf32, #tpu.memory_space<vmem>>
      %dma_start3A_82 = arith.constant 0 : i32
      %dma_start3A_83 = tpu.memref_slice %arg12[%add3A_23, %dma_start3A_82] : memref<10240x128xf32, #tpu.memory_space<vmem_shared>> -> memref<128x128xf32, #tpu.memory_space<vmem_shared>>
      %dma_start3A_84 = arith.constant 0 : i32
      %dma_start3A_85 = tpu.memref_slice %arg12[%add3A_23, %dma_start3A_84] : memref<10240x128xf32, #tpu.memory_space<vmem_shared>> -> memref<128x128xf32, #tpu.memory_space<vmem_shared>>
      %dma_start3A_86 = arith.constant 0 : i32
      %dma_start3A_87 = arith.constant 0 : i32
      %dma_start3A_88 = tpu.memref_slice %arg9[%dma_start3A_86, %dma_start3A_87] : memref<128x128xf32, #tpu.memory_space<vmem>> -> memref<128x128xf32, #tpu.memory_space<vmem>>
      tpu.enqueue_dma source(%dma_start3A_88 : memref<128x128xf32, #tpu.memory_space<vmem>>) target(%dma_start3A_85 : memref<128x128xf32, #tpu.memory_space<vmem_shared>>) target_semaphore(%run_scoped3A : memref<!tpu.dma_semaphore, #tpu.memory_space<semaphore_mem>>)
      %dma_wait3A = arith.constant 0 : i32
      %dma_wait3A_89 = arith.constant 0 : i32
      %dma_wait3A_90 = tpu.memref_slice %arg9[%dma_wait3A, %dma_wait3A_89] : memref<128x128xf32, #tpu.memory_space<vmem>> -> memref<128x128xf32, #tpu.memory_space<vmem>>
      %dma_wait3A_91 = arith.constant 0 : i32
      %dma_wait3A_92 = tpu.memref_slice %arg12[%add3A_23, %dma_wait3A_91] : memref<10240x128xf32, #tpu.memory_space<vmem_shared>> -> memref<128x128xf32, #tpu.memory_space<vmem_shared>>
      %dma_wait3A_93 = arith.constant 0 : i32
      %dma_wait3A_94 = tpu.memref_slice %arg12[%add3A_23, %dma_wait3A_93] : memref<10240x128xf32, #tpu.memory_space<vmem_shared>> -> memref<128x128xf32, #tpu.memory_space<vmem_shared>>
      %dma_wait3A_95 = arith.constant 0 : i32
      %dma_wait3A_96 = arith.constant 0 : i32
      %dma_wait3A_97 = tpu.memref_slice %arg9[%dma_wait3A_95, %dma_wait3A_96] : memref<128x128xf32, #tpu.memory_space<vmem>> -> memref<128x128xf32, #tpu.memory_space<vmem>>
      tpu.wait_dma2 semaphore(%run_scoped3A : memref<!tpu.dma_semaphore, #tpu.memory_space<semaphore_mem>>) src(%dma_wait3A_97 : memref<128x128xf32, #tpu.memory_space<vmem>>) dst(%dma_wait3A_94 : memref<128x128xf32, #tpu.memory_space<vmem_shared>>)
      tpu.yield
    }) : () -> ()
    %add3A_24 = arith.constant 256 : i32
    %add3A_25 = arith.addi %mul3A_19, %add3A_24 : i32
    "tpu.region"() ({
      %run_scoped3A = tpu.sem_alloc : memref<!tpu.dma_semaphore, #tpu.memory_space<semaphore_mem>>
      %dma_start3A = arith.constant 0 : i32
      %dma_start3A_80 = arith.constant 0 : i32
      %dma_start3A_81 = tpu.memref_slice %arg9[%dma_start3A, %dma_start3A_80] : memref<128x128xf32, #tpu.memory_space<vmem>> -> memref<128x128xf32, #tpu.memory_space<vmem>>
      %dma_start3A_82 = arith.constant 0 : i32
      %dma_start3A_83 = tpu.memref_slice %arg12[%add3A_25, %dma_start3A_82] : memref<10240x128xf32, #tpu.memory_space<vmem_shared>> -> memref<128x128xf32, #tpu.memory_space<vmem_shared>>
      %dma_start3A_84 = arith.constant 0 : i32
      %dma_start3A_85 = tpu.memref_slice %arg12[%add3A_25, %dma_start3A_84] : memref<10240x128xf32, #tpu.memory_space<vmem_shared>> -> memref<128x128xf32, #tpu.memory_space<vmem_shared>>
      %dma_start3A_86 = arith.constant 0 : i32
      %dma_start3A_87 = arith.constant 0 : i32
      %dma_start3A_88 = tpu.memref_slice %arg9[%dma_start3A_86, %dma_start3A_87] : memref<128x128xf32, #tpu.memory_space<vmem>> -> memref<128x128xf32, #tpu.memory_space<vmem>>
      tpu.enqueue_dma source(%dma_start3A_88 : memref<128x128xf32, #tpu.memory_space<vmem>>) target(%dma_start3A_85 : memref<128x128xf32, #tpu.memory_space<vmem_shared>>) target_semaphore(%run_scoped3A : memref<!tpu.dma_semaphore, #tpu.memory_space<semaphore_mem>>)
      %dma_wait3A = arith.constant 0 : i32
      %dma_wait3A_89 = arith.constant 0 : i32
      %dma_wait3A_90 = tpu.memref_slice %arg9[%dma_wait3A, %dma_wait3A_89] : memref<128x128xf32, #tpu.memory_space<vmem>> -> memref<128x128xf32, #tpu.memory_space<vmem>>
      %dma_wait3A_91 = arith.constant 0 : i32
      %dma_wait3A_92 = tpu.memref_slice %arg12[%add3A_25, %dma_wait3A_91] : memref<10240x128xf32, #tpu.memory_space<vmem_shared>> -> memref<128x128xf32, #tpu.memory_space<vmem_shared>>
      %dma_wait3A_93 = arith.constant 0 : i32
      %dma_wait3A_94 = tpu.memref_slice %arg12[%add3A_25, %dma_wait3A_93] : memref<10240x128xf32, #tpu.memory_space<vmem_shared>> -> memref<128x128xf32, #tpu.memory_space<vmem_shared>>
      %dma_wait3A_95 = arith.constant 0 : i32
      %dma_wait3A_96 = arith.constant 0 : i32
      %dma_wait3A_97 = tpu.memref_slice %arg9[%dma_wait3A_95, %dma_wait3A_96] : memref<128x128xf32, #tpu.memory_space<vmem>> -> memref<128x128xf32, #tpu.memory_space<vmem>>
      tpu.wait_dma2 semaphore(%run_scoped3A : memref<!tpu.dma_semaphore, #tpu.memory_space<semaphore_mem>>) src(%dma_wait3A_97 : memref<128x128xf32, #tpu.memory_space<vmem>>) dst(%dma_wait3A_94 : memref<128x128xf32, #tpu.memory_space<vmem_shared>>)
      tpu.yield
    }) : () -> ()
    %add3A_26 = arith.constant 384 : i32
    %add3A_27 = arith.addi %mul3A_19, %add3A_26 : i32
    "tpu.region"() ({
      %run_scoped3A = tpu.sem_alloc : memref<!tpu.dma_semaphore, #tpu.memory_space<semaphore_mem>>
      %dma_start3A = arith.constant 0 : i32
      %dma_start3A_80 = arith.constant 0 : i32
      %dma_start3A_81 = tpu.memref_slice %arg9[%dma_start3A, %dma_start3A_80] : memref<128x128xf32, #tpu.memory_space<vmem>> -> memref<128x128xf32, #tpu.memory_space<vmem>>
      %dma_start3A_82 = arith.constant 0 : i32
      %dma_start3A_83 = tpu.memref_slice %arg12[%add3A_27, %dma_start3A_82] : memref<10240x128xf32, #tpu.memory_space<vmem_shared>> -> memref<128x128xf32, #tpu.memory_space<vmem_shared>>
      %dma_start3A_84 = arith.constant 0 : i32
      %dma_start3A_85 = tpu.memref_slice %arg12[%add3A_27, %dma_start3A_84] : memref<10240x128xf32, #tpu.memory_space<vmem_shared>> -> memref<128x128xf32, #tpu.memory_space<vmem_shared>>
      %dma_start3A_86 = arith.constant 0 : i32
      %dma_start3A_87 = arith.constant 0 : i32
      %dma_start3A_88 = tpu.memref_slice %arg9[%dma_start3A_86, %dma_start3A_87] : memref<128x128xf32, #tpu.memory_space<vmem>> -> memref<128x128xf32, #tpu.memory_space<vmem>>
      tpu.enqueue_dma source(%dma_start3A_88 : memref<128x128xf32, #tpu.memory_space<vmem>>) target(%dma_start3A_85 : memref<128x128xf32, #tpu.memory_space<vmem_shared>>) target_semaphore(%run_scoped3A : memref<!tpu.dma_semaphore, #tpu.memory_space<semaphore_mem>>)
      %dma_wait3A = arith.constant 0 : i32
      %dma_wait3A_89 = arith.constant 0 : i32
      %dma_wait3A_90 = tpu.memref_slice %arg9[%dma_wait3A, %dma_wait3A_89] : memref<128x128xf32, #tpu.memory_space<vmem>> -> memref<128x128xf32, #tpu.memory_space<vmem>>
      %dma_wait3A_91 = arith.constant 0 : i32
      %dma_wait3A_92 = tpu.memref_slice %arg12[%add3A_27, %dma_wait3A_91] : memref<10240x128xf32, #tpu.memory_space<vmem_shared>> -> memref<128x128xf32, #tpu.memory_space<vmem_shared>>
      %dma_wait3A_93 = arith.constant 0 : i32
      %dma_wait3A_94 = tpu.memref_slice %arg12[%add3A_27, %dma_wait3A_93] : memref<10240x128xf32, #tpu.memory_space<vmem_shared>> -> memref<128x128xf32, #tpu.memory_space<vmem_shared>>
      %dma_wait3A_95 = arith.constant 0 : i32
      %dma_wait3A_96 = arith.constant 0 : i32
      %dma_wait3A_97 = tpu.memref_slice %arg9[%dma_wait3A_95, %dma_wait3A_96] : memref<128x128xf32, #tpu.memory_space<vmem>> -> memref<128x128xf32, #tpu.memory_space<vmem>>
      tpu.wait_dma2 semaphore(%run_scoped3A : memref<!tpu.dma_semaphore, #tpu.memory_space<semaphore_mem>>) src(%dma_wait3A_97 : memref<128x128xf32, #tpu.memory_space<vmem>>) dst(%dma_wait3A_94 : memref<128x128xf32, #tpu.memory_space<vmem_shared>>)
      tpu.yield
    }) : () -> ()
    %add3A_28 = arith.constant 512 : i32
    %add3A_29 = arith.addi %mul3A_19, %add3A_28 : i32
    "tpu.region"() ({
      %run_scoped3A = tpu.sem_alloc : memref<!tpu.dma_semaphore, #tpu.memory_space<semaphore_mem>>
      %dma_start3A = arith.constant 0 : i32
      %dma_start3A_80 = arith.constant 0 : i32
      %dma_start3A_81 = tpu.memref_slice %arg9[%dma_start3A, %dma_start3A_80] : memref<128x128xf32, #tpu.memory_space<vmem>> -> memref<128x128xf32, #tpu.memory_space<vmem>>
      %dma_start3A_82 = arith.constant 0 : i32
      %dma_start3A_83 = tpu.memref_slice %arg12[%add3A_29, %dma_start3A_82] : memref<10240x128xf32, #tpu.memory_space<vmem_shared>> -> memref<128x128xf32, #tpu.memory_space<vmem_shared>>
      %dma_start3A_84 = arith.constant 0 : i32
      %dma_start3A_85 = tpu.memref_slice %arg12[%add3A_29, %dma_start3A_84] : memref<10240x128xf32, #tpu.memory_space<vmem_shared>> -> memref<128x128xf32, #tpu.memory_space<vmem_shared>>
      %dma_start3A_86 = arith.constant 0 : i32
      %dma_start3A_87 = arith.constant 0 : i32
      %dma_start3A_88 = tpu.memref_slice %arg9[%dma_start3A_86, %dma_start3A_87] : memref<128x128xf32, #tpu.memory_space<vmem>> -> memref<128x128xf32, #tpu.memory_space<vmem>>
      tpu.enqueue_dma source(%dma_start3A_88 : memref<128x128xf32, #tpu.memory_space<vmem>>) target(%dma_start3A_85 : memref<128x128xf32, #tpu.memory_space<vmem_shared>>) target_semaphore(%run_scoped3A : memref<!tpu.dma_semaphore, #tpu.memory_space<semaphore_mem>>)
      %dma_wait3A = arith.constant 0 : i32
      %dma_wait3A_89 = arith.constant 0 : i32
      %dma_wait3A_90 = tpu.memref_slice %arg9[%dma_wait3A, %dma_wait3A_89] : memref<128x128xf32, #tpu.memory_space<vmem>> -> memref<128x128xf32, #tpu.memory_space<vmem>>
      %dma_wait3A_91 = arith.constant 0 : i32
      %dma_wait3A_92 = tpu.memref_slice %arg12[%add3A_29, %dma_wait3A_91] : memref<10240x128xf32, #tpu.memory_space<vmem_shared>> -> memref<128x128xf32, #tpu.memory_space<vmem_shared>>
      %dma_wait3A_93 = arith.constant 0 : i32
      %dma_wait3A_94 = tpu.memref_slice %arg12[%add3A_29, %dma_wait3A_93] : memref<10240x128xf32, #tpu.memory_space<vmem_shared>> -> memref<128x128xf32, #tpu.memory_space<vmem_shared>>
      %dma_wait3A_95 = arith.constant 0 : i32
      %dma_wait3A_96 = arith.constant 0 : i32
      %dma_wait3A_97 = tpu.memref_slice %arg9[%dma_wait3A_95, %dma_wait3A_96] : memref<128x128xf32, #tpu.memory_space<vmem>> -> memref<128x128xf32, #tpu.memory_space<vmem>>
      tpu.wait_dma2 semaphore(%run_scoped3A : memref<!tpu.dma_semaphore, #tpu.memory_space<semaphore_mem>>) src(%dma_wait3A_97 : memref<128x128xf32, #tpu.memory_space<vmem>>) dst(%dma_wait3A_94 : memref<128x128xf32, #tpu.memory_space<vmem_shared>>)
      tpu.yield
    }) : () -> ()
    %mul3A_30 = arith.constant 10240 : i32
    %mul3A_31 = arith.muli %arg1, %mul3A_30 : i32
    %add3A_32 = arith.constant 0 : i32
    %add3A_33 = arith.addi %mul3A_31, %add3A_32 : i32
    "tpu.region"() ({
      %run_scoped3A = tpu.sem_alloc : memref<!tpu.dma_semaphore, #tpu.memory_space<semaphore_mem>>
      %dma_start3A = arith.constant 0 : i32
      %dma_start3A_80 = tpu.memref_slice %arg10[%dma_start3A] : memref<512xf32, #tpu.memory_space<vmem>> -> memref<512xf32, #tpu.memory_space<vmem>>
      %dma_start3A_81 = tpu.memref_slice %arg13[%add3A_33] : memref<163840xf32, #tpu.memory_space<vmem_shared>> -> memref<512xf32, #tpu.memory_space<vmem_shared>>
      %dma_start3A_82 = tpu.memref_slice %arg13[%add3A_33] : memref<163840xf32, #tpu.memory_space<vmem_shared>> -> memref<512xf32, #tpu.memory_space<vmem_shared>>
      %dma_start3A_83 = arith.constant 0 : i32
      %dma_start3A_84 = tpu.memref_slice %arg10[%dma_start3A_83] : memref<512xf32, #tpu.memory_space<vmem>> -> memref<512xf32, #tpu.memory_space<vmem>>
      tpu.enqueue_dma source(%dma_start3A_84 : memref<512xf32, #tpu.memory_space<vmem>>) target(%dma_start3A_82 : memref<512xf32, #tpu.memory_space<vmem_shared>>) target_semaphore(%run_scoped3A : memref<!tpu.dma_semaphore, #tpu.memory_space<semaphore_mem>>)
      %dma_wait3A = arith.constant 0 : i32
      %dma_wait3A_85 = tpu.memref_slice %arg10[%dma_wait3A] : memref<512xf32, #tpu.memory_space<vmem>> -> memref<512xf32, #tpu.memory_space<vmem>>
      %dma_wait3A_86 = tpu.memref_slice %arg13[%add3A_33] : memref<163840xf32, #tpu.memory_space<vmem_shared>> -> memref<512xf32, #tpu.memory_space<vmem_shared>>
      %dma_wait3A_87 = tpu.memref_slice %arg13[%add3A_33] : memref<163840xf32, #tpu.memory_space<vmem_shared>> -> memref<512xf32, #tpu.memory_space<vmem_shared>>
      %dma_wait3A_88 = arith.constant 0 : i32
      %dma_wait3A_89 = tpu.memref_slice %arg10[%dma_wait3A_88] : memref<512xf32, #tpu.memory_space<vmem>> -> memref<512xf32, #tpu.memory_space<vmem>>
      tpu.wait_dma2 semaphore(%run_scoped3A : memref<!tpu.dma_semaphore, #tpu.memory_space<semaphore_mem>>) src(%dma_wait3A_89 : memref<512xf32, #tpu.memory_space<vmem>>) dst(%dma_wait3A_87 : memref<512xf32, #tpu.memory_space<vmem_shared>>)
      tpu.yield
    }) : () -> ()
    %add3A_34 = arith.constant 512 : i32
    %add3A_35 = arith.addi %mul3A_31, %add3A_34 : i32
    "tpu.region"() ({
      %run_scoped3A = tpu.sem_alloc : memref<!tpu.dma_semaphore, #tpu.memory_space<semaphore_mem>>
      %dma_start3A = arith.constant 0 : i32
      %dma_start3A_80 = tpu.memref_slice %arg10[%dma_start3A] : memref<512xf32, #tpu.memory_space<vmem>> -> memref<512xf32, #tpu.memory_space<vmem>>
      %dma_start3A_81 = tpu.memref_slice %arg13[%add3A_35] : memref<163840xf32, #tpu.memory_space<vmem_shared>> -> memref<512xf32, #tpu.memory_space<vmem_shared>>
      %dma_start3A_82 = tpu.memref_slice %arg13[%add3A_35] : memref<163840xf32, #tpu.memory_space<vmem_shared>> -> memref<512xf32, #tpu.memory_space<vmem_shared>>
      %dma_start3A_83 = arith.constant 0 : i32
      %dma_start3A_84 = tpu.memref_slice %arg10[%dma_start3A_83] : memref<512xf32, #tpu.memory_space<vmem>> -> memref<512xf32, #tpu.memory_space<vmem>>
      tpu.enqueue_dma source(%dma_start3A_84 : memref<512xf32, #tpu.memory_space<vmem>>) target(%dma_start3A_82 : memref<512xf32, #tpu.memory_space<vmem_shared>>) target_semaphore(%run_scoped3A : memref<!tpu.dma_semaphore, #tpu.memory_space<semaphore_mem>>)
      %dma_wait3A = arith.constant 0 : i32
      %dma_wait3A_85 = tpu.memref_slice %arg10[%dma_wait3A] : memref<512xf32, #tpu.memory_space<vmem>> -> memref<512xf32, #tpu.memory_space<vmem>>
      %dma_wait3A_86 = tpu.memref_slice %arg13[%add3A_35] : memref<163840xf32, #tpu.memory_space<vmem_shared>> -> memref<512xf32, #tpu.memory_space<vmem_shared>>
      %dma_wait3A_87 = tpu.memref_slice %arg13[%add3A_35] : memref<163840xf32, #tpu.memory_space<vmem_shared>> -> memref<512xf32, #tpu.memory_space<vmem_shared>>
      %dma_wait3A_88 = arith.constant 0 : i32
      %dma_wait3A_89 = tpu.memref_slice %arg10[%dma_wait3A_88] : memref<512xf32, #tpu.memory_space<vmem>> -> memref<512xf32, #tpu.memory_space<vmem>>
      tpu.wait_dma2 semaphore(%run_scoped3A : memref<!tpu.dma_semaphore, #tpu.memory_space<semaphore_mem>>) src(%dma_wait3A_89 : memref<512xf32, #tpu.memory_space<vmem>>) dst(%dma_wait3A_87 : memref<512xf32, #tpu.memory_space<vmem_shared>>)
      tpu.yield
    }) : () -> ()
    %add3A_36 = arith.constant 1024 : i32
    %add3A_37 = arith.addi %mul3A_31, %add3A_36 : i32
    "tpu.region"() ({
      %run_scoped3A = tpu.sem_alloc : memref<!tpu.dma_semaphore, #tpu.memory_space<semaphore_mem>>
      %dma_start3A = arith.constant 0 : i32
      %dma_start3A_80 = tpu.memref_slice %arg10[%dma_start3A] : memref<512xf32, #tpu.memory_space<vmem>> -> memref<512xf32, #tpu.memory_space<vmem>>
      %dma_start3A_81 = tpu.memref_slice %arg13[%add3A_37] : memref<163840xf32, #tpu.memory_space<vmem_shared>> -> memref<512xf32, #tpu.memory_space<vmem_shared>>
      %dma_start3A_82 = tpu.memref_slice %arg13[%add3A_37] : memref<163840xf32, #tpu.memory_space<vmem_shared>> -> memref<512xf32, #tpu.memory_space<vmem_shared>>
      %dma_start3A_83 = arith.constant 0 : i32
      %dma_start3A_84 = tpu.memref_slice %arg10[%dma_start3A_83] : memref<512xf32, #tpu.memory_space<vmem>> -> memref<512xf32, #tpu.memory_space<vmem>>
      tpu.enqueue_dma source(%dma_start3A_84 : memref<512xf32, #tpu.memory_space<vmem>>) target(%dma_start3A_82 : memref<512xf32, #tpu.memory_space<vmem_shared>>) target_semaphore(%run_scoped3A : memref<!tpu.dma_semaphore, #tpu.memory_space<semaphore_mem>>)
      %dma_wait3A = arith.constant 0 : i32
      %dma_wait3A_85 = tpu.memref_slice %arg10[%dma_wait3A] : memref<512xf32, #tpu.memory_space<vmem>> -> memref<512xf32, #tpu.memory_space<vmem>>
      %dma_wait3A_86 = tpu.memref_slice %arg13[%add3A_37] : memref<163840xf32, #tpu.memory_space<vmem_shared>> -> memref<512xf32, #tpu.memory_space<vmem_shared>>
      %dma_wait3A_87 = tpu.memref_slice %arg13[%add3A_37] : memref<163840xf32, #tpu.memory_space<vmem_shared>> -> memref<512xf32, #tpu.memory_space<vmem_shared>>
      %dma_wait3A_88 = arith.constant 0 : i32
      %dma_wait3A_89 = tpu.memref_slice %arg10[%dma_wait3A_88] : memref<512xf32, #tpu.memory_space<vmem>> -> memref<512xf32, #tpu.memory_space<vmem>>
      tpu.wait_dma2 semaphore(%run_scoped3A : memref<!tpu.dma_semaphore, #tpu.memory_space<semaphore_mem>>) src(%dma_wait3A_89 : memref<512xf32, #tpu.memory_space<vmem>>) dst(%dma_wait3A_87 : memref<512xf32, #tpu.memory_space<vmem_shared>>)
      tpu.yield
    }) : () -> ()
    %add3A_38 = arith.constant 1536 : i32
    %add3A_39 = arith.addi %mul3A_31, %add3A_38 : i32
    "tpu.region"() ({
      %run_scoped3A = tpu.sem_alloc : memref<!tpu.dma_semaphore, #tpu.memory_space<semaphore_mem>>
      %dma_start3A = arith.constant 0 : i32
      %dma_start3A_80 = tpu.memref_slice %arg10[%dma_start3A] : memref<512xf32, #tpu.memory_space<vmem>> -> memref<512xf32, #tpu.memory_space<vmem>>
      %dma_start3A_81 = tpu.memref_slice %arg13[%add3A_39] : memref<163840xf32, #tpu.memory_space<vmem_shared>> -> memref<512xf32, #tpu.memory_space<vmem_shared>>
      %dma_start3A_82 = tpu.memref_slice %arg13[%add3A_39] : memref<163840xf32, #tpu.memory_space<vmem_shared>> -> memref<512xf32, #tpu.memory_space<vmem_shared>>
      %dma_start3A_83 = arith.constant 0 : i32
      %dma_start3A_84 = tpu.memref_slice %arg10[%dma_start3A_83] : memref<512xf32, #tpu.memory_space<vmem>> -> memref<512xf32, #tpu.memory_space<vmem>>
      tpu.enqueue_dma source(%dma_start3A_84 : memref<512xf32, #tpu.memory_space<vmem>>) target(%dma_start3A_82 : memref<512xf32, #tpu.memory_space<vmem_shared>>) target_semaphore(%run_scoped3A : memref<!tpu.dma_semaphore, #tpu.memory_space<semaphore_mem>>)
      %dma_wait3A = arith.constant 0 : i32
      %dma_wait3A_85 = tpu.memref_slice %arg10[%dma_wait3A] : memref<512xf32, #tpu.memory_space<vmem>> -> memref<512xf32, #tpu.memory_space<vmem>>
      %dma_wait3A_86 = tpu.memref_slice %arg13[%add3A_39] : memref<163840xf32, #tpu.memory_space<vmem_shared>> -> memref<512xf32, #tpu.memory_space<vmem_shared>>
      %dma_wait3A_87 = tpu.memref_slice %arg13[%add3A_39] : memref<163840xf32, #tpu.memory_space<vmem_shared>> -> memref<512xf32, #tpu.memory_space<vmem_shared>>
      %dma_wait3A_88 = arith.constant 0 : i32
      %dma_wait3A_89 = tpu.memref_slice %arg10[%dma_wait3A_88] : memref<512xf32, #tpu.memory_space<vmem>> -> memref<512xf32, #tpu.memory_space<vmem>>
      tpu.wait_dma2 semaphore(%run_scoped3A : memref<!tpu.dma_semaphore, #tpu.memory_space<semaphore_mem>>) src(%dma_wait3A_89 : memref<512xf32, #tpu.memory_space<vmem>>) dst(%dma_wait3A_87 : memref<512xf32, #tpu.memory_space<vmem_shared>>)
      tpu.yield
    }) : () -> ()
    %add3A_40 = arith.constant 2048 : i32
    %add3A_41 = arith.addi %mul3A_31, %add3A_40 : i32
    "tpu.region"() ({
      %run_scoped3A = tpu.sem_alloc : memref<!tpu.dma_semaphore, #tpu.memory_space<semaphore_mem>>
      %dma_start3A = arith.constant 0 : i32
      %dma_start3A_80 = tpu.memref_slice %arg10[%dma_start3A] : memref<512xf32, #tpu.memory_space<vmem>> -> memref<512xf32, #tpu.memory_space<vmem>>
      %dma_start3A_81 = tpu.memref_slice %arg13[%add3A_41] : memref<163840xf32, #tpu.memory_space<vmem_shared>> -> memref<512xf32, #tpu.memory_space<vmem_shared>>
      %dma_start3A_82 = tpu.memref_slice %arg13[%add3A_41] : memref<163840xf32, #tpu.memory_space<vmem_shared>> -> memref<512xf32, #tpu.memory_space<vmem_shared>>
      %dma_start3A_83 = arith.constant 0 : i32
      %dma_start3A_84 = tpu.memref_slice %arg10[%dma_start3A_83] : memref<512xf32, #tpu.memory_space<vmem>> -> memref<512xf32, #tpu.memory_space<vmem>>
      tpu.enqueue_dma source(%dma_start3A_84 : memref<512xf32, #tpu.memory_space<vmem>>) target(%dma_start3A_82 : memref<512xf32, #tpu.memory_space<vmem_shared>>) target_semaphore(%run_scoped3A : memref<!tpu.dma_semaphore, #tpu.memory_space<semaphore_mem>>)
      %dma_wait3A = arith.constant 0 : i32
      %dma_wait3A_85 = tpu.memref_slice %arg10[%dma_wait3A] : memref<512xf32, #tpu.memory_space<vmem>> -> memref<512xf32, #tpu.memory_space<vmem>>
      %dma_wait3A_86 = tpu.memref_slice %arg13[%add3A_41] : memref<163840xf32, #tpu.memory_space<vmem_shared>> -> memref<512xf32, #tpu.memory_space<vmem_shared>>
      %dma_wait3A_87 = tpu.memref_slice %arg13[%add3A_41] : memref<163840xf32, #tpu.memory_space<vmem_shared>> -> memref<512xf32, #tpu.memory_space<vmem_shared>>
      %dma_wait3A_88 = arith.constant 0 : i32
      %dma_wait3A_89 = tpu.memref_slice %arg10[%dma_wait3A_88] : memref<512xf32, #tpu.memory_space<vmem>> -> memref<512xf32, #tpu.memory_space<vmem>>
      tpu.wait_dma2 semaphore(%run_scoped3A : memref<!tpu.dma_semaphore, #tpu.memory_space<semaphore_mem>>) src(%dma_wait3A_89 : memref<512xf32, #tpu.memory_space<vmem>>) dst(%dma_wait3A_87 : memref<512xf32, #tpu.memory_space<vmem_shared>>)
      tpu.yield
    }) : () -> ()
    %add3A_42 = arith.constant 2560 : i32
    %add3A_43 = arith.addi %mul3A_31, %add3A_42 : i32
    "tpu.region"() ({
      %run_scoped3A = tpu.sem_alloc : memref<!tpu.dma_semaphore, #tpu.memory_space<semaphore_mem>>
      %dma_start3A = arith.constant 0 : i32
      %dma_start3A_80 = tpu.memref_slice %arg10[%dma_start3A] : memref<512xf32, #tpu.memory_space<vmem>> -> memref<512xf32, #tpu.memory_space<vmem>>
      %dma_start3A_81 = tpu.memref_slice %arg13[%add3A_43] : memref<163840xf32, #tpu.memory_space<vmem_shared>> -> memref<512xf32, #tpu.memory_space<vmem_shared>>
      %dma_start3A_82 = tpu.memref_slice %arg13[%add3A_43] : memref<163840xf32, #tpu.memory_space<vmem_shared>> -> memref<512xf32, #tpu.memory_space<vmem_shared>>
      %dma_start3A_83 = arith.constant 0 : i32
      %dma_start3A_84 = tpu.memref_slice %arg10[%dma_start3A_83] : memref<512xf32, #tpu.memory_space<vmem>> -> memref<512xf32, #tpu.memory_space<vmem>>
      tpu.enqueue_dma source(%dma_start3A_84 : memref<512xf32, #tpu.memory_space<vmem>>) target(%dma_start3A_82 : memref<512xf32, #tpu.memory_space<vmem_shared>>) target_semaphore(%run_scoped3A : memref<!tpu.dma_semaphore, #tpu.memory_space<semaphore_mem>>)
      %dma_wait3A = arith.constant 0 : i32
      %dma_wait3A_85 = tpu.memref_slice %arg10[%dma_wait3A] : memref<512xf32, #tpu.memory_space<vmem>> -> memref<512xf32, #tpu.memory_space<vmem>>
      %dma_wait3A_86 = tpu.memref_slice %arg13[%add3A_43] : memref<163840xf32, #tpu.memory_space<vmem_shared>> -> memref<512xf32, #tpu.memory_space<vmem_shared>>
      %dma_wait3A_87 = tpu.memref_slice %arg13[%add3A_43] : memref<163840xf32, #tpu.memory_space<vmem_shared>> -> memref<512xf32, #tpu.memory_space<vmem_shared>>
      %dma_wait3A_88 = arith.constant 0 : i32
      %dma_wait3A_89 = tpu.memref_slice %arg10[%dma_wait3A_88] : memref<512xf32, #tpu.memory_space<vmem>> -> memref<512xf32, #tpu.memory_space<vmem>>
      tpu.wait_dma2 semaphore(%run_scoped3A : memref<!tpu.dma_semaphore, #tpu.memory_space<semaphore_mem>>) src(%dma_wait3A_89 : memref<512xf32, #tpu.memory_space<vmem>>) dst(%dma_wait3A_87 : memref<512xf32, #tpu.memory_space<vmem_shared>>)
      tpu.yield
    }) : () -> ()
    %add3A_44 = arith.constant 3072 : i32
    %add3A_45 = arith.addi %mul3A_31, %add3A_44 : i32
    "tpu.region"() ({
      %run_scoped3A = tpu.sem_alloc : memref<!tpu.dma_semaphore, #tpu.memory_space<semaphore_mem>>
      %dma_start3A = arith.constant 0 : i32
      %dma_start3A_80 = tpu.memref_slice %arg10[%dma_start3A] : memref<512xf32, #tpu.memory_space<vmem>> -> memref<512xf32, #tpu.memory_space<vmem>>
      %dma_start3A_81 = tpu.memref_slice %arg13[%add3A_45] : memref<163840xf32, #tpu.memory_space<vmem_shared>> -> memref<512xf32, #tpu.memory_space<vmem_shared>>
      %dma_start3A_82 = tpu.memref_slice %arg13[%add3A_45] : memref<163840xf32, #tpu.memory_space<vmem_shared>> -> memref<512xf32, #tpu.memory_space<vmem_shared>>
      %dma_start3A_83 = arith.constant 0 : i32
      %dma_start3A_84 = tpu.memref_slice %arg10[%dma_start3A_83] : memref<512xf32, #tpu.memory_space<vmem>> -> memref<512xf32, #tpu.memory_space<vmem>>
      tpu.enqueue_dma source(%dma_start3A_84 : memref<512xf32, #tpu.memory_space<vmem>>) target(%dma_start3A_82 : memref<512xf32, #tpu.memory_space<vmem_shared>>) target_semaphore(%run_scoped3A : memref<!tpu.dma_semaphore, #tpu.memory_space<semaphore_mem>>)
      %dma_wait3A = arith.constant 0 : i32
      %dma_wait3A_85 = tpu.memref_slice %arg10[%dma_wait3A] : memref<512xf32, #tpu.memory_space<vmem>> -> memref<512xf32, #tpu.memory_space<vmem>>
      %dma_wait3A_86 = tpu.memref_slice %arg13[%add3A_45] : memref<163840xf32, #tpu.memory_space<vmem_shared>> -> memref<512xf32, #tpu.memory_space<vmem_shared>>
      %dma_wait3A_87 = tpu.memref_slice %arg13[%add3A_45] : memref<163840xf32, #tpu.memory_space<vmem_shared>> -> memref<512xf32, #tpu.memory_space<vmem_shared>>
      %dma_wait3A_88 = arith.constant 0 : i32
      %dma_wait3A_89 = tpu.memref_slice %arg10[%dma_wait3A_88] : memref<512xf32, #tpu.memory_space<vmem>> -> memref<512xf32, #tpu.memory_space<vmem>>
      tpu.wait_dma2 semaphore(%run_scoped3A : memref<!tpu.dma_semaphore, #tpu.memory_space<semaphore_mem>>) src(%dma_wait3A_89 : memref<512xf32, #tpu.memory_space<vmem>>) dst(%dma_wait3A_87 : memref<512xf32, #tpu.memory_space<vmem_shared>>)
      tpu.yield
    }) : () -> ()
    %add3A_46 = arith.constant 3584 : i32
    %add3A_47 = arith.addi %mul3A_31, %add3A_46 : i32
    "tpu.region"() ({
      %run_scoped3A = tpu.sem_alloc : memref<!tpu.dma_semaphore, #tpu.memory_space<semaphore_mem>>
      %dma_start3A = arith.constant 0 : i32
      %dma_start3A_80 = tpu.memref_slice %arg10[%dma_start3A] : memref<512xf32, #tpu.memory_space<vmem>> -> memref<512xf32, #tpu.memory_space<vmem>>
      %dma_start3A_81 = tpu.memref_slice %arg13[%add3A_47] : memref<163840xf32, #tpu.memory_space<vmem_shared>> -> memref<512xf32, #tpu.memory_space<vmem_shared>>
      %dma_start3A_82 = tpu.memref_slice %arg13[%add3A_47] : memref<163840xf32, #tpu.memory_space<vmem_shared>> -> memref<512xf32, #tpu.memory_space<vmem_shared>>
      %dma_start3A_83 = arith.constant 0 : i32
      %dma_start3A_84 = tpu.memref_slice %arg10[%dma_start3A_83] : memref<512xf32, #tpu.memory_space<vmem>> -> memref<512xf32, #tpu.memory_space<vmem>>
      tpu.enqueue_dma source(%dma_start3A_84 : memref<512xf32, #tpu.memory_space<vmem>>) target(%dma_start3A_82 : memref<512xf32, #tpu.memory_space<vmem_shared>>) target_semaphore(%run_scoped3A : memref<!tpu.dma_semaphore, #tpu.memory_space<semaphore_mem>>)
      %dma_wait3A = arith.constant 0 : i32
      %dma_wait3A_85 = tpu.memref_slice %arg10[%dma_wait3A] : memref<512xf32, #tpu.memory_space<vmem>> -> memref<512xf32, #tpu.memory_space<vmem>>
      %dma_wait3A_86 = tpu.memref_slice %arg13[%add3A_47] : memref<163840xf32, #tpu.memory_space<vmem_shared>> -> memref<512xf32, #tpu.memory_space<vmem_shared>>
      %dma_wait3A_87 = tpu.memref_slice %arg13[%add3A_47] : memref<163840xf32, #tpu.memory_space<vmem_shared>> -> memref<512xf32, #tpu.memory_space<vmem_shared>>
      %dma_wait3A_88 = arith.constant 0 : i32
      %dma_wait3A_89 = tpu.memref_slice %arg10[%dma_wait3A_88] : memref<512xf32, #tpu.memory_space<vmem>> -> memref<512xf32, #tpu.memory_space<vmem>>
      tpu.wait_dma2 semaphore(%run_scoped3A : memref<!tpu.dma_semaphore, #tpu.memory_space<semaphore_mem>>) src(%dma_wait3A_89 : memref<512xf32, #tpu.memory_space<vmem>>) dst(%dma_wait3A_87 : memref<512xf32, #tpu.memory_space<vmem_shared>>)
      tpu.yield
    }) : () -> ()
    %add3A_48 = arith.constant 4096 : i32
    %add3A_49 = arith.addi %mul3A_31, %add3A_48 : i32
    "tpu.region"() ({
      %run_scoped3A = tpu.sem_alloc : memref<!tpu.dma_semaphore, #tpu.memory_space<semaphore_mem>>
      %dma_start3A = arith.constant 0 : i32
      %dma_start3A_80 = tpu.memref_slice %arg10[%dma_start3A] : memref<512xf32, #tpu.memory_space<vmem>> -> memref<512xf32, #tpu.memory_space<vmem>>
      %dma_start3A_81 = tpu.memref_slice %arg13[%add3A_49] : memref<163840xf32, #tpu.memory_space<vmem_shared>> -> memref<512xf32, #tpu.memory_space<vmem_shared>>
      %dma_start3A_82 = tpu.memref_slice %arg13[%add3A_49] : memref<163840xf32, #tpu.memory_space<vmem_shared>> -> memref<512xf32, #tpu.memory_space<vmem_shared>>
      %dma_start3A_83 = arith.constant 0 : i32
      %dma_start3A_84 = tpu.memref_slice %arg10[%dma_start3A_83] : memref<512xf32, #tpu.memory_space<vmem>> -> memref<512xf32, #tpu.memory_space<vmem>>
      tpu.enqueue_dma source(%dma_start3A_84 : memref<512xf32, #tpu.memory_space<vmem>>) target(%dma_start3A_82 : memref<512xf32, #tpu.memory_space<vmem_shared>>) target_semaphore(%run_scoped3A : memref<!tpu.dma_semaphore, #tpu.memory_space<semaphore_mem>>)
      %dma_wait3A = arith.constant 0 : i32
      %dma_wait3A_85 = tpu.memref_slice %arg10[%dma_wait3A] : memref<512xf32, #tpu.memory_space<vmem>> -> memref<512xf32, #tpu.memory_space<vmem>>
      %dma_wait3A_86 = tpu.memref_slice %arg13[%add3A_49] : memref<163840xf32, #tpu.memory_space<vmem_shared>> -> memref<512xf32, #tpu.memory_space<vmem_shared>>
      %dma_wait3A_87 = tpu.memref_slice %arg13[%add3A_49] : memref<163840xf32, #tpu.memory_space<vmem_shared>> -> memref<512xf32, #tpu.memory_space<vmem_shared>>
      %dma_wait3A_88 = arith.constant 0 : i32
      %dma_wait3A_89 = tpu.memref_slice %arg10[%dma_wait3A_88] : memref<512xf32, #tpu.memory_space<vmem>> -> memref<512xf32, #tpu.memory_space<vmem>>
      tpu.wait_dma2 semaphore(%run_scoped3A : memref<!tpu.dma_semaphore, #tpu.memory_space<semaphore_mem>>) src(%dma_wait3A_89 : memref<512xf32, #tpu.memory_space<vmem>>) dst(%dma_wait3A_87 : memref<512xf32, #tpu.memory_space<vmem_shared>>)
      tpu.yield
    }) : () -> ()
    %add3A_50 = arith.constant 4608 : i32
    %add3A_51 = arith.addi %mul3A_31, %add3A_50 : i32
    "tpu.region"() ({
      %run_scoped3A = tpu.sem_alloc : memref<!tpu.dma_semaphore, #tpu.memory_space<semaphore_mem>>
      %dma_start3A = arith.constant 0 : i32
      %dma_start3A_80 = tpu.memref_slice %arg10[%dma_start3A] : memref<512xf32, #tpu.memory_space<vmem>> -> memref<512xf32, #tpu.memory_space<vmem>>
      %dma_start3A_81 = tpu.memref_slice %arg13[%add3A_51] : memref<163840xf32, #tpu.memory_space<vmem_shared>> -> memref<512xf32, #tpu.memory_space<vmem_shared>>
      %dma_start3A_82 = tpu.memref_slice %arg13[%add3A_51] : memref<163840xf32, #tpu.memory_space<vmem_shared>> -> memref<512xf32, #tpu.memory_space<vmem_shared>>
      %dma_start3A_83 = arith.constant 0 : i32
      %dma_start3A_84 = tpu.memref_slice %arg10[%dma_start3A_83] : memref<512xf32, #tpu.memory_space<vmem>> -> memref<512xf32, #tpu.memory_space<vmem>>
      tpu.enqueue_dma source(%dma_start3A_84 : memref<512xf32, #tpu.memory_space<vmem>>) target(%dma_start3A_82 : memref<512xf32, #tpu.memory_space<vmem_shared>>) target_semaphore(%run_scoped3A : memref<!tpu.dma_semaphore, #tpu.memory_space<semaphore_mem>>)
      %dma_wait3A = arith.constant 0 : i32
      %dma_wait3A_85 = tpu.memref_slice %arg10[%dma_wait3A] : memref<512xf32, #tpu.memory_space<vmem>> -> memref<512xf32, #tpu.memory_space<vmem>>
      %dma_wait3A_86 = tpu.memref_slice %arg13[%add3A_51] : memref<163840xf32, #tpu.memory_space<vmem_shared>> -> memref<512xf32, #tpu.memory_space<vmem_shared>>
      %dma_wait3A_87 = tpu.memref_slice %arg13[%add3A_51] : memref<163840xf32, #tpu.memory_space<vmem_shared>> -> memref<512xf32, #tpu.memory_space<vmem_shared>>
      %dma_wait3A_88 = arith.constant 0 : i32
      %dma_wait3A_89 = tpu.memref_slice %arg10[%dma_wait3A_88] : memref<512xf32, #tpu.memory_space<vmem>> -> memref<512xf32, #tpu.memory_space<vmem>>
      tpu.wait_dma2 semaphore(%run_scoped3A : memref<!tpu.dma_semaphore, #tpu.memory_space<semaphore_mem>>) src(%dma_wait3A_89 : memref<512xf32, #tpu.memory_space<vmem>>) dst(%dma_wait3A_87 : memref<512xf32, #tpu.memory_space<vmem_shared>>)
      tpu.yield
    }) : () -> ()
    %add3A_52 = arith.constant 5120 : i32
    %add3A_53 = arith.addi %mul3A_31, %add3A_52 : i32
    "tpu.region"() ({
      %run_scoped3A = tpu.sem_alloc : memref<!tpu.dma_semaphore, #tpu.memory_space<semaphore_mem>>
      %dma_start3A = arith.constant 0 : i32
      %dma_start3A_80 = tpu.memref_slice %arg10[%dma_start3A] : memref<512xf32, #tpu.memory_space<vmem>> -> memref<512xf32, #tpu.memory_space<vmem>>
      %dma_start3A_81 = tpu.memref_slice %arg13[%add3A_53] : memref<163840xf32, #tpu.memory_space<vmem_shared>> -> memref<512xf32, #tpu.memory_space<vmem_shared>>
      %dma_start3A_82 = tpu.memref_slice %arg13[%add3A_53] : memref<163840xf32, #tpu.memory_space<vmem_shared>> -> memref<512xf32, #tpu.memory_space<vmem_shared>>
      %dma_start3A_83 = arith.constant 0 : i32
      %dma_start3A_84 = tpu.memref_slice %arg10[%dma_start3A_83] : memref<512xf32, #tpu.memory_space<vmem>> -> memref<512xf32, #tpu.memory_space<vmem>>
      tpu.enqueue_dma source(%dma_start3A_84 : memref<512xf32, #tpu.memory_space<vmem>>) target(%dma_start3A_82 : memref<512xf32, #tpu.memory_space<vmem_shared>>) target_semaphore(%run_scoped3A : memref<!tpu.dma_semaphore, #tpu.memory_space<semaphore_mem>>)
      %dma_wait3A = arith.constant 0 : i32
      %dma_wait3A_85 = tpu.memref_slice %arg10[%dma_wait3A] : memref<512xf32, #tpu.memory_space<vmem>> -> memref<512xf32, #tpu.memory_space<vmem>>
      %dma_wait3A_86 = tpu.memref_slice %arg13[%add3A_53] : memref<163840xf32, #tpu.memory_space<vmem_shared>> -> memref<512xf32, #tpu.memory_space<vmem_shared>>
      %dma_wait3A_87 = tpu.memref_slice %arg13[%add3A_53] : memref<163840xf32, #tpu.memory_space<vmem_shared>> -> memref<512xf32, #tpu.memory_space<vmem_shared>>
      %dma_wait3A_88 = arith.constant 0 : i32
      %dma_wait3A_89 = tpu.memref_slice %arg10[%dma_wait3A_88] : memref<512xf32, #tpu.memory_space<vmem>> -> memref<512xf32, #tpu.memory_space<vmem>>
      tpu.wait_dma2 semaphore(%run_scoped3A : memref<!tpu.dma_semaphore, #tpu.memory_space<semaphore_mem>>) src(%dma_wait3A_89 : memref<512xf32, #tpu.memory_space<vmem>>) dst(%dma_wait3A_87 : memref<512xf32, #tpu.memory_space<vmem_shared>>)
      tpu.yield
    }) : () -> ()
    %add3A_54 = arith.constant 5632 : i32
    %add3A_55 = arith.addi %mul3A_31, %add3A_54 : i32
    "tpu.region"() ({
      %run_scoped3A = tpu.sem_alloc : memref<!tpu.dma_semaphore, #tpu.memory_space<semaphore_mem>>
      %dma_start3A = arith.constant 0 : i32
      %dma_start3A_80 = tpu.memref_slice %arg10[%dma_start3A] : memref<512xf32, #tpu.memory_space<vmem>> -> memref<512xf32, #tpu.memory_space<vmem>>
      %dma_start3A_81 = tpu.memref_slice %arg13[%add3A_55] : memref<163840xf32, #tpu.memory_space<vmem_shared>> -> memref<512xf32, #tpu.memory_space<vmem_shared>>
      %dma_start3A_82 = tpu.memref_slice %arg13[%add3A_55] : memref<163840xf32, #tpu.memory_space<vmem_shared>> -> memref<512xf32, #tpu.memory_space<vmem_shared>>
      %dma_start3A_83 = arith.constant 0 : i32
      %dma_start3A_84 = tpu.memref_slice %arg10[%dma_start3A_83] : memref<512xf32, #tpu.memory_space<vmem>> -> memref<512xf32, #tpu.memory_space<vmem>>
      tpu.enqueue_dma source(%dma_start3A_84 : memref<512xf32, #tpu.memory_space<vmem>>) target(%dma_start3A_82 : memref<512xf32, #tpu.memory_space<vmem_shared>>) target_semaphore(%run_scoped3A : memref<!tpu.dma_semaphore, #tpu.memory_space<semaphore_mem>>)
      %dma_wait3A = arith.constant 0 : i32
      %dma_wait3A_85 = tpu.memref_slice %arg10[%dma_wait3A] : memref<512xf32, #tpu.memory_space<vmem>> -> memref<512xf32, #tpu.memory_space<vmem>>
      %dma_wait3A_86 = tpu.memref_slice %arg13[%add3A_55] : memref<163840xf32, #tpu.memory_space<vmem_shared>> -> memref<512xf32, #tpu.memory_space<vmem_shared>>
      %dma_wait3A_87 = tpu.memref_slice %arg13[%add3A_55] : memref<163840xf32, #tpu.memory_space<vmem_shared>> -> memref<512xf32, #tpu.memory_space<vmem_shared>>
      %dma_wait3A_88 = arith.constant 0 : i32
      %dma_wait3A_89 = tpu.memref_slice %arg10[%dma_wait3A_88] : memref<512xf32, #tpu.memory_space<vmem>> -> memref<512xf32, #tpu.memory_space<vmem>>
      tpu.wait_dma2 semaphore(%run_scoped3A : memref<!tpu.dma_semaphore, #tpu.memory_space<semaphore_mem>>) src(%dma_wait3A_89 : memref<512xf32, #tpu.memory_space<vmem>>) dst(%dma_wait3A_87 : memref<512xf32, #tpu.memory_space<vmem_shared>>)
      tpu.yield
    }) : () -> ()
    %add3A_56 = arith.constant 6144 : i32
    %add3A_57 = arith.addi %mul3A_31, %add3A_56 : i32
    "tpu.region"() ({
      %run_scoped3A = tpu.sem_alloc : memref<!tpu.dma_semaphore, #tpu.memory_space<semaphore_mem>>
      %dma_start3A = arith.constant 0 : i32
      %dma_start3A_80 = tpu.memref_slice %arg10[%dma_start3A] : memref<512xf32, #tpu.memory_space<vmem>> -> memref<512xf32, #tpu.memory_space<vmem>>
      %dma_start3A_81 = tpu.memref_slice %arg13[%add3A_57] : memref<163840xf32, #tpu.memory_space<vmem_shared>> -> memref<512xf32, #tpu.memory_space<vmem_shared>>
      %dma_start3A_82 = tpu.memref_slice %arg13[%add3A_57] : memref<163840xf32, #tpu.memory_space<vmem_shared>> -> memref<512xf32, #tpu.memory_space<vmem_shared>>
      %dma_start3A_83 = arith.constant 0 : i32
      %dma_start3A_84 = tpu.memref_slice %arg10[%dma_start3A_83] : memref<512xf32, #tpu.memory_space<vmem>> -> memref<512xf32, #tpu.memory_space<vmem>>
      tpu.enqueue_dma source(%dma_start3A_84 : memref<512xf32, #tpu.memory_space<vmem>>) target(%dma_start3A_82 : memref<512xf32, #tpu.memory_space<vmem_shared>>) target_semaphore(%run_scoped3A : memref<!tpu.dma_semaphore, #tpu.memory_space<semaphore_mem>>)
      %dma_wait3A = arith.constant 0 : i32
      %dma_wait3A_85 = tpu.memref_slice %arg10[%dma_wait3A] : memref<512xf32, #tpu.memory_space<vmem>> -> memref<512xf32, #tpu.memory_space<vmem>>
      %dma_wait3A_86 = tpu.memref_slice %arg13[%add3A_57] : memref<163840xf32, #tpu.memory_space<vmem_shared>> -> memref<512xf32, #tpu.memory_space<vmem_shared>>
      %dma_wait3A_87 = tpu.memref_slice %arg13[%add3A_57] : memref<163840xf32, #tpu.memory_space<vmem_shared>> -> memref<512xf32, #tpu.memory_space<vmem_shared>>
      %dma_wait3A_88 = arith.constant 0 : i32
      %dma_wait3A_89 = tpu.memref_slice %arg10[%dma_wait3A_88] : memref<512xf32, #tpu.memory_space<vmem>> -> memref<512xf32, #tpu.memory_space<vmem>>
      tpu.wait_dma2 semaphore(%run_scoped3A : memref<!tpu.dma_semaphore, #tpu.memory_space<semaphore_mem>>) src(%dma_wait3A_89 : memref<512xf32, #tpu.memory_space<vmem>>) dst(%dma_wait3A_87 : memref<512xf32, #tpu.memory_space<vmem_shared>>)
      tpu.yield
    }) : () -> ()
    %add3A_58 = arith.constant 6656 : i32
    %add3A_59 = arith.addi %mul3A_31, %add3A_58 : i32
    "tpu.region"() ({
      %run_scoped3A = tpu.sem_alloc : memref<!tpu.dma_semaphore, #tpu.memory_space<semaphore_mem>>
      %dma_start3A = arith.constant 0 : i32
      %dma_start3A_80 = tpu.memref_slice %arg10[%dma_start3A] : memref<512xf32, #tpu.memory_space<vmem>> -> memref<512xf32, #tpu.memory_space<vmem>>
      %dma_start3A_81 = tpu.memref_slice %arg13[%add3A_59] : memref<163840xf32, #tpu.memory_space<vmem_shared>> -> memref<512xf32, #tpu.memory_space<vmem_shared>>
      %dma_start3A_82 = tpu.memref_slice %arg13[%add3A_59] : memref<163840xf32, #tpu.memory_space<vmem_shared>> -> memref<512xf32, #tpu.memory_space<vmem_shared>>
      %dma_start3A_83 = arith.constant 0 : i32
      %dma_start3A_84 = tpu.memref_slice %arg10[%dma_start3A_83] : memref<512xf32, #tpu.memory_space<vmem>> -> memref<512xf32, #tpu.memory_space<vmem>>
      tpu.enqueue_dma source(%dma_start3A_84 : memref<512xf32, #tpu.memory_space<vmem>>) target(%dma_start3A_82 : memref<512xf32, #tpu.memory_space<vmem_shared>>) target_semaphore(%run_scoped3A : memref<!tpu.dma_semaphore, #tpu.memory_space<semaphore_mem>>)
      %dma_wait3A = arith.constant 0 : i32
      %dma_wait3A_85 = tpu.memref_slice %arg10[%dma_wait3A] : memref<512xf32, #tpu.memory_space<vmem>> -> memref<512xf32, #tpu.memory_space<vmem>>
      %dma_wait3A_86 = tpu.memref_slice %arg13[%add3A_59] : memref<163840xf32, #tpu.memory_space<vmem_shared>> -> memref<512xf32, #tpu.memory_space<vmem_shared>>
      %dma_wait3A_87 = tpu.memref_slice %arg13[%add3A_59] : memref<163840xf32, #tpu.memory_space<vmem_shared>> -> memref<512xf32, #tpu.memory_space<vmem_shared>>
      %dma_wait3A_88 = arith.constant 0 : i32
      %dma_wait3A_89 = tpu.memref_slice %arg10[%dma_wait3A_88] : memref<512xf32, #tpu.memory_space<vmem>> -> memref<512xf32, #tpu.memory_space<vmem>>
      tpu.wait_dma2 semaphore(%run_scoped3A : memref<!tpu.dma_semaphore, #tpu.memory_space<semaphore_mem>>) src(%dma_wait3A_89 : memref<512xf32, #tpu.memory_space<vmem>>) dst(%dma_wait3A_87 : memref<512xf32, #tpu.memory_space<vmem_shared>>)
      tpu.yield
    }) : () -> ()
    %add3A_60 = arith.constant 7168 : i32
    %add3A_61 = arith.addi %mul3A_31, %add3A_60 : i32
    "tpu.region"() ({
      %run_scoped3A = tpu.sem_alloc : memref<!tpu.dma_semaphore, #tpu.memory_space<semaphore_mem>>
      %dma_start3A = arith.constant 0 : i32
      %dma_start3A_80 = tpu.memref_slice %arg10[%dma_start3A] : memref<512xf32, #tpu.memory_space<vmem>> -> memref<512xf32, #tpu.memory_space<vmem>>
      %dma_start3A_81 = tpu.memref_slice %arg13[%add3A_61] : memref<163840xf32, #tpu.memory_space<vmem_shared>> -> memref<512xf32, #tpu.memory_space<vmem_shared>>
      %dma_start3A_82 = tpu.memref_slice %arg13[%add3A_61] : memref<163840xf32, #tpu.memory_space<vmem_shared>> -> memref<512xf32, #tpu.memory_space<vmem_shared>>
      %dma_start3A_83 = arith.constant 0 : i32
      %dma_start3A_84 = tpu.memref_slice %arg10[%dma_start3A_83] : memref<512xf32, #tpu.memory_space<vmem>> -> memref<512xf32, #tpu.memory_space<vmem>>
      tpu.enqueue_dma source(%dma_start3A_84 : memref<512xf32, #tpu.memory_space<vmem>>) target(%dma_start3A_82 : memref<512xf32, #tpu.memory_space<vmem_shared>>) target_semaphore(%run_scoped3A : memref<!tpu.dma_semaphore, #tpu.memory_space<semaphore_mem>>)
      %dma_wait3A = arith.constant 0 : i32
      %dma_wait3A_85 = tpu.memref_slice %arg10[%dma_wait3A] : memref<512xf32, #tpu.memory_space<vmem>> -> memref<512xf32, #tpu.memory_space<vmem>>
      %dma_wait3A_86 = tpu.memref_slice %arg13[%add3A_61] : memref<163840xf32, #tpu.memory_space<vmem_shared>> -> memref<512xf32, #tpu.memory_space<vmem_shared>>
      %dma_wait3A_87 = tpu.memref_slice %arg13[%add3A_61] : memref<163840xf32, #tpu.memory_space<vmem_shared>> -> memref<512xf32, #tpu.memory_space<vmem_shared>>
      %dma_wait3A_88 = arith.constant 0 : i32
      %dma_wait3A_89 = tpu.memref_slice %arg10[%dma_wait3A_88] : memref<512xf32, #tpu.memory_space<vmem>> -> memref<512xf32, #tpu.memory_space<vmem>>
      tpu.wait_dma2 semaphore(%run_scoped3A : memref<!tpu.dma_semaphore, #tpu.memory_space<semaphore_mem>>) src(%dma_wait3A_89 : memref<512xf32, #tpu.memory_space<vmem>>) dst(%dma_wait3A_87 : memref<512xf32, #tpu.memory_space<vmem_shared>>)
      tpu.yield
    }) : () -> ()
    %add3A_62 = arith.constant 7680 : i32
    %add3A_63 = arith.addi %mul3A_31, %add3A_62 : i32
    "tpu.region"() ({
      %run_scoped3A = tpu.sem_alloc : memref<!tpu.dma_semaphore, #tpu.memory_space<semaphore_mem>>
      %dma_start3A = arith.constant 0 : i32
      %dma_start3A_80 = tpu.memref_slice %arg10[%dma_start3A] : memref<512xf32, #tpu.memory_space<vmem>> -> memref<512xf32, #tpu.memory_space<vmem>>
      %dma_start3A_81 = tpu.memref_slice %arg13[%add3A_63] : memref<163840xf32, #tpu.memory_space<vmem_shared>> -> memref<512xf32, #tpu.memory_space<vmem_shared>>
      %dma_start3A_82 = tpu.memref_slice %arg13[%add3A_63] : memref<163840xf32, #tpu.memory_space<vmem_shared>> -> memref<512xf32, #tpu.memory_space<vmem_shared>>
      %dma_start3A_83 = arith.constant 0 : i32
      %dma_start3A_84 = tpu.memref_slice %arg10[%dma_start3A_83] : memref<512xf32, #tpu.memory_space<vmem>> -> memref<512xf32, #tpu.memory_space<vmem>>
      tpu.enqueue_dma source(%dma_start3A_84 : memref<512xf32, #tpu.memory_space<vmem>>) target(%dma_start3A_82 : memref<512xf32, #tpu.memory_space<vmem_shared>>) target_semaphore(%run_scoped3A : memref<!tpu.dma_semaphore, #tpu.memory_space<semaphore_mem>>)
      %dma_wait3A = arith.constant 0 : i32
      %dma_wait3A_85 = tpu.memref_slice %arg10[%dma_wait3A] : memref<512xf32, #tpu.memory_space<vmem>> -> memref<512xf32, #tpu.memory_space<vmem>>
      %dma_wait3A_86 = tpu.memref_slice %arg13[%add3A_63] : memref<163840xf32, #tpu.memory_space<vmem_shared>> -> memref<512xf32, #tpu.memory_space<vmem_shared>>
      %dma_wait3A_87 = tpu.memref_slice %arg13[%add3A_63] : memref<163840xf32, #tpu.memory_space<vmem_shared>> -> memref<512xf32, #tpu.memory_space<vmem_shared>>
      %dma_wait3A_88 = arith.constant 0 : i32
      %dma_wait3A_89 = tpu.memref_slice %arg10[%dma_wait3A_88] : memref<512xf32, #tpu.memory_space<vmem>> -> memref<512xf32, #tpu.memory_space<vmem>>
      tpu.wait_dma2 semaphore(%run_scoped3A : memref<!tpu.dma_semaphore, #tpu.memory_space<semaphore_mem>>) src(%dma_wait3A_89 : memref<512xf32, #tpu.memory_space<vmem>>) dst(%dma_wait3A_87 : memref<512xf32, #tpu.memory_space<vmem_shared>>)
      tpu.yield
    }) : () -> ()
    %add3A_64 = arith.constant 8192 : i32
    %add3A_65 = arith.addi %mul3A_31, %add3A_64 : i32
    "tpu.region"() ({
      %run_scoped3A = tpu.sem_alloc : memref<!tpu.dma_semaphore, #tpu.memory_space<semaphore_mem>>
      %dma_start3A = arith.constant 0 : i32
      %dma_start3A_80 = tpu.memref_slice %arg10[%dma_start3A] : memref<512xf32, #tpu.memory_space<vmem>> -> memref<512xf32, #tpu.memory_space<vmem>>
      %dma_start3A_81 = tpu.memref_slice %arg13[%add3A_65] : memref<163840xf32, #tpu.memory_space<vmem_shared>> -> memref<512xf32, #tpu.memory_space<vmem_shared>>
      %dma_start3A_82 = tpu.memref_slice %arg13[%add3A_65] : memref<163840xf32, #tpu.memory_space<vmem_shared>> -> memref<512xf32, #tpu.memory_space<vmem_shared>>
      %dma_start3A_83 = arith.constant 0 : i32
      %dma_start3A_84 = tpu.memref_slice %arg10[%dma_start3A_83] : memref<512xf32, #tpu.memory_space<vmem>> -> memref<512xf32, #tpu.memory_space<vmem>>
      tpu.enqueue_dma source(%dma_start3A_84 : memref<512xf32, #tpu.memory_space<vmem>>) target(%dma_start3A_82 : memref<512xf32, #tpu.memory_space<vmem_shared>>) target_semaphore(%run_scoped3A : memref<!tpu.dma_semaphore, #tpu.memory_space<semaphore_mem>>)
      %dma_wait3A = arith.constant 0 : i32
      %dma_wait3A_85 = tpu.memref_slice %arg10[%dma_wait3A] : memref<512xf32, #tpu.memory_space<vmem>> -> memref<512xf32, #tpu.memory_space<vmem>>
      %dma_wait3A_86 = tpu.memref_slice %arg13[%add3A_65] : memref<163840xf32, #tpu.memory_space<vmem_shared>> -> memref<512xf32, #tpu.memory_space<vmem_shared>>
      %dma_wait3A_87 = tpu.memref_slice %arg13[%add3A_65] : memref<163840xf32, #tpu.memory_space<vmem_shared>> -> memref<512xf32, #tpu.memory_space<vmem_shared>>
      %dma_wait3A_88 = arith.constant 0 : i32
      %dma_wait3A_89 = tpu.memref_slice %arg10[%dma_wait3A_88] : memref<512xf32, #tpu.memory_space<vmem>> -> memref<512xf32, #tpu.memory_space<vmem>>
      tpu.wait_dma2 semaphore(%run_scoped3A : memref<!tpu.dma_semaphore, #tpu.memory_space<semaphore_mem>>) src(%dma_wait3A_89 : memref<512xf32, #tpu.memory_space<vmem>>) dst(%dma_wait3A_87 : memref<512xf32, #tpu.memory_space<vmem_shared>>)
      tpu.yield
    }) : () -> ()
    %add3A_66 = arith.constant 8704 : i32
    %add3A_67 = arith.addi %mul3A_31, %add3A_66 : i32
    "tpu.region"() ({
      %run_scoped3A = tpu.sem_alloc : memref<!tpu.dma_semaphore, #tpu.memory_space<semaphore_mem>>
      %dma_start3A = arith.constant 0 : i32
      %dma_start3A_80 = tpu.memref_slice %arg10[%dma_start3A] : memref<512xf32, #tpu.memory_space<vmem>> -> memref<512xf32, #tpu.memory_space<vmem>>
      %dma_start3A_81 = tpu.memref_slice %arg13[%add3A_67] : memref<163840xf32, #tpu.memory_space<vmem_shared>> -> memref<512xf32, #tpu.memory_space<vmem_shared>>
      %dma_start3A_82 = tpu.memref_slice %arg13[%add3A_67] : memref<163840xf32, #tpu.memory_space<vmem_shared>> -> memref<512xf32, #tpu.memory_space<vmem_shared>>
      %dma_start3A_83 = arith.constant 0 : i32
      %dma_start3A_84 = tpu.memref_slice %arg10[%dma_start3A_83] : memref<512xf32, #tpu.memory_space<vmem>> -> memref<512xf32, #tpu.memory_space<vmem>>
      tpu.enqueue_dma source(%dma_start3A_84 : memref<512xf32, #tpu.memory_space<vmem>>) target(%dma_start3A_82 : memref<512xf32, #tpu.memory_space<vmem_shared>>) target_semaphore(%run_scoped3A : memref<!tpu.dma_semaphore, #tpu.memory_space<semaphore_mem>>)
      %dma_wait3A = arith.constant 0 : i32
      %dma_wait3A_85 = tpu.memref_slice %arg10[%dma_wait3A] : memref<512xf32, #tpu.memory_space<vmem>> -> memref<512xf32, #tpu.memory_space<vmem>>
      %dma_wait3A_86 = tpu.memref_slice %arg13[%add3A_67] : memref<163840xf32, #tpu.memory_space<vmem_shared>> -> memref<512xf32, #tpu.memory_space<vmem_shared>>
      %dma_wait3A_87 = tpu.memref_slice %arg13[%add3A_67] : memref<163840xf32, #tpu.memory_space<vmem_shared>> -> memref<512xf32, #tpu.memory_space<vmem_shared>>
      %dma_wait3A_88 = arith.constant 0 : i32
      %dma_wait3A_89 = tpu.memref_slice %arg10[%dma_wait3A_88] : memref<512xf32, #tpu.memory_space<vmem>> -> memref<512xf32, #tpu.memory_space<vmem>>
      tpu.wait_dma2 semaphore(%run_scoped3A : memref<!tpu.dma_semaphore, #tpu.memory_space<semaphore_mem>>) src(%dma_wait3A_89 : memref<512xf32, #tpu.memory_space<vmem>>) dst(%dma_wait3A_87 : memref<512xf32, #tpu.memory_space<vmem_shared>>)
      tpu.yield
    }) : () -> ()
    %add3A_68 = arith.constant 9216 : i32
    %add3A_69 = arith.addi %mul3A_31, %add3A_68 : i32
    "tpu.region"() ({
      %run_scoped3A = tpu.sem_alloc : memref<!tpu.dma_semaphore, #tpu.memory_space<semaphore_mem>>
      %dma_start3A = arith.constant 0 : i32
      %dma_start3A_80 = tpu.memref_slice %arg10[%dma_start3A] : memref<512xf32, #tpu.memory_space<vmem>> -> memref<512xf32, #tpu.memory_space<vmem>>
      %dma_start3A_81 = tpu.memref_slice %arg13[%add3A_69] : memref<163840xf32, #tpu.memory_space<vmem_shared>> -> memref<512xf32, #tpu.memory_space<vmem_shared>>
      %dma_start3A_82 = tpu.memref_slice %arg13[%add3A_69] : memref<163840xf32, #tpu.memory_space<vmem_shared>> -> memref<512xf32, #tpu.memory_space<vmem_shared>>
      %dma_start3A_83 = arith.constant 0 : i32
      %dma_start3A_84 = tpu.memref_slice %arg10[%dma_start3A_83] : memref<512xf32, #tpu.memory_space<vmem>> -> memref<512xf32, #tpu.memory_space<vmem>>
      tpu.enqueue_dma source(%dma_start3A_84 : memref<512xf32, #tpu.memory_space<vmem>>) target(%dma_start3A_82 : memref<512xf32, #tpu.memory_space<vmem_shared>>) target_semaphore(%run_scoped3A : memref<!tpu.dma_semaphore, #tpu.memory_space<semaphore_mem>>)
      %dma_wait3A = arith.constant 0 : i32
      %dma_wait3A_85 = tpu.memref_slice %arg10[%dma_wait3A] : memref<512xf32, #tpu.memory_space<vmem>> -> memref<512xf32, #tpu.memory_space<vmem>>
      %dma_wait3A_86 = tpu.memref_slice %arg13[%add3A_69] : memref<163840xf32, #tpu.memory_space<vmem_shared>> -> memref<512xf32, #tpu.memory_space<vmem_shared>>
      %dma_wait3A_87 = tpu.memref_slice %arg13[%add3A_69] : memref<163840xf32, #tpu.memory_space<vmem_shared>> -> memref<512xf32, #tpu.memory_space<vmem_shared>>
      %dma_wait3A_88 = arith.constant 0 : i32
      %dma_wait3A_89 = tpu.memref_slice %arg10[%dma_wait3A_88] : memref<512xf32, #tpu.memory_space<vmem>> -> memref<512xf32, #tpu.memory_space<vmem>>
      tpu.wait_dma2 semaphore(%run_scoped3A : memref<!tpu.dma_semaphore, #tpu.memory_space<semaphore_mem>>) src(%dma_wait3A_89 : memref<512xf32, #tpu.memory_space<vmem>>) dst(%dma_wait3A_87 : memref<512xf32, #tpu.memory_space<vmem_shared>>)
      tpu.yield
    }) : () -> ()
    %add3A_70 = arith.constant 9728 : i32
    %add3A_71 = arith.addi %mul3A_31, %add3A_70 : i32
    "tpu.region"() ({
      %run_scoped3A = tpu.sem_alloc : memref<!tpu.dma_semaphore, #tpu.memory_space<semaphore_mem>>
      %dma_start3A = arith.constant 0 : i32
      %dma_start3A_80 = tpu.memref_slice %arg10[%dma_start3A] : memref<512xf32, #tpu.memory_space<vmem>> -> memref<512xf32, #tpu.memory_space<vmem>>
      %dma_start3A_81 = tpu.memref_slice %arg13[%add3A_71] : memref<163840xf32, #tpu.memory_space<vmem_shared>> -> memref<512xf32, #tpu.memory_space<vmem_shared>>
      %dma_start3A_82 = tpu.memref_slice %arg13[%add3A_71] : memref<163840xf32, #tpu.memory_space<vmem_shared>> -> memref<512xf32, #tpu.memory_space<vmem_shared>>
      %dma_start3A_83 = arith.constant 0 : i32
      %dma_start3A_84 = tpu.memref_slice %arg10[%dma_start3A_83] : memref<512xf32, #tpu.memory_space<vmem>> -> memref<512xf32, #tpu.memory_space<vmem>>
      tpu.enqueue_dma source(%dma_start3A_84 : memref<512xf32, #tpu.memory_space<vmem>>) target(%dma_start3A_82 : memref<512xf32, #tpu.memory_space<vmem_shared>>) target_semaphore(%run_scoped3A : memref<!tpu.dma_semaphore, #tpu.memory_space<semaphore_mem>>)
      %dma_wait3A = arith.constant 0 : i32
      %dma_wait3A_85 = tpu.memref_slice %arg10[%dma_wait3A] : memref<512xf32, #tpu.memory_space<vmem>> -> memref<512xf32, #tpu.memory_space<vmem>>
      %dma_wait3A_86 = tpu.memref_slice %arg13[%add3A_71] : memref<163840xf32, #tpu.memory_space<vmem_shared>> -> memref<512xf32, #tpu.memory_space<vmem_shared>>
      %dma_wait3A_87 = tpu.memref_slice %arg13[%add3A_71] : memref<163840xf32, #tpu.memory_space<vmem_shared>> -> memref<512xf32, #tpu.memory_space<vmem_shared>>
      %dma_wait3A_88 = arith.constant 0 : i32
      %dma_wait3A_89 = tpu.memref_slice %arg10[%dma_wait3A_88] : memref<512xf32, #tpu.memory_space<vmem>> -> memref<512xf32, #tpu.memory_space<vmem>>
      tpu.wait_dma2 semaphore(%run_scoped3A : memref<!tpu.dma_semaphore, #tpu.memory_space<semaphore_mem>>) src(%dma_wait3A_89 : memref<512xf32, #tpu.memory_space<vmem>>) dst(%dma_wait3A_87 : memref<512xf32, #tpu.memory_space<vmem_shared>>)
      tpu.yield
    }) : () -> ()
    %barrier3A = arith.constant 0 : index
    tpu.barrier barrier_id(%barrier3A)
    %eq3A = arith.constant 0 : i32
    %eq3A_72 = arith.cmpi eq, %arg0, %eq3A : i32
    %convert_element_type3A = arith.extui %eq3A_72 : i1 to i32
    %cond3A = arith.constant 0 : i32
    %cond3A_73 = arith.cmpi ne, %convert_element_type3A, %cond3A : i32
    scf.if %cond3A_73 {
      %mul3A_80 = arith.constant 20096 : i32
      %mul3A_81 = arith.muli %arg1, %mul3A_80 : i32
      %add3A_82 = arith.constant 0 : i32
      %add3A_83 = arith.addi %mul3A_81, %add3A_82 : i32
      "tpu.region"() ({
        %run_scoped3A = tpu.sem_alloc : memref<!tpu.dma_semaphore, #tpu.memory_space<semaphore_mem>>
        %dma_start3A = arith.constant 0 : i32
        %dma_start3A_96 = tpu.memref_slice %arg7[%dma_start3A] : memref<6784xi32, #tpu.memory_space<vmem>> -> memref<6784xi32, #tpu.memory_space<vmem>>
        %dma_start3A_97 = tpu.memref_slice %arg3[%add3A_83] : memref<321536xi32, #tpu.memory_space<hbm>> -> memref<6784xi32, #tpu.memory_space<hbm>>
        %dma_start3A_98 = arith.constant 0 : i32
        %dma_start3A_99 = tpu.memref_slice %arg7[%dma_start3A_98] : memref<6784xi32, #tpu.memory_space<vmem>> -> memref<6784xi32, #tpu.memory_space<vmem>>
        %dma_start3A_100 = tpu.memref_slice %arg3[%add3A_83] : memref<321536xi32, #tpu.memory_space<hbm>> -> memref<6784xi32, #tpu.memory_space<hbm>>
        tpu.enqueue_dma source(%dma_start3A_100 : memref<6784xi32, #tpu.memory_space<hbm>>) target(%dma_start3A_99 : memref<6784xi32, #tpu.memory_space<vmem>>) target_semaphore(%run_scoped3A : memref<!tpu.dma_semaphore, #tpu.memory_space<semaphore_mem>>)
        %dma_wait3A = arith.constant 0 : i32
        %dma_wait3A_101 = tpu.memref_slice %arg7[%dma_wait3A] : memref<6784xi32, #tpu.memory_space<vmem>> -> memref<6784xi32, #tpu.memory_space<vmem>>
        %dma_wait3A_102 = tpu.memref_slice %arg3[%add3A_83] : memref<321536xi32, #tpu.memory_space<hbm>> -> memref<6784xi32, #tpu.memory_space<hbm>>
        %dma_wait3A_103 = arith.constant 0 : i32
        %dma_wait3A_104 = tpu.memref_slice %arg7[%dma_wait3A_103] : memref<6784xi32, #tpu.memory_space<vmem>> -> memref<6784xi32, #tpu.memory_space<vmem>>
        %dma_wait3A_105 = tpu.memref_slice %arg3[%add3A_83] : memref<321536xi32, #tpu.memory_space<hbm>> -> memref<6784xi32, #tpu.memory_space<hbm>>
        tpu.wait_dma2 semaphore(%run_scoped3A : memref<!tpu.dma_semaphore, #tpu.memory_space<semaphore_mem>>) src(%dma_wait3A_105 : memref<6784xi32, #tpu.memory_space<hbm>>) dst(%dma_wait3A_104 : memref<6784xi32, #tpu.memory_space<vmem>>)
        tpu.yield
      }) : () -> ()
      "tpu.region"() ({
        %run_scoped3A = tpu.sem_alloc : memref<!tpu.dma_semaphore, #tpu.memory_space<semaphore_mem>>
        %dma_start3A = arith.constant 0 : i32
        %dma_start3A_96 = tpu.memref_slice %arg8[%dma_start3A] : memref<6784xi32, #tpu.memory_space<vmem>> -> memref<6784xi32, #tpu.memory_space<vmem>>
        %dma_start3A_97 = tpu.memref_slice %arg4[%add3A_83] : memref<321536xi32, #tpu.memory_space<hbm>> -> memref<6784xi32, #tpu.memory_space<hbm>>
        %dma_start3A_98 = arith.constant 0 : i32
        %dma_start3A_99 = tpu.memref_slice %arg8[%dma_start3A_98] : memref<6784xi32, #tpu.memory_space<vmem>> -> memref<6784xi32, #tpu.memory_space<vmem>>
        %dma_start3A_100 = tpu.memref_slice %arg4[%add3A_83] : memref<321536xi32, #tpu.memory_space<hbm>> -> memref<6784xi32, #tpu.memory_space<hbm>>
        tpu.enqueue_dma source(%dma_start3A_100 : memref<6784xi32, #tpu.memory_space<hbm>>) target(%dma_start3A_99 : memref<6784xi32, #tpu.memory_space<vmem>>) target_semaphore(%run_scoped3A : memref<!tpu.dma_semaphore, #tpu.memory_space<semaphore_mem>>)
        %dma_wait3A = arith.constant 0 : i32
        %dma_wait3A_101 = tpu.memref_slice %arg8[%dma_wait3A] : memref<6784xi32, #tpu.memory_space<vmem>> -> memref<6784xi32, #tpu.memory_space<vmem>>
        %dma_wait3A_102 = tpu.memref_slice %arg4[%add3A_83] : memref<321536xi32, #tpu.memory_space<hbm>> -> memref<6784xi32, #tpu.memory_space<hbm>>
        %dma_wait3A_103 = arith.constant 0 : i32
        %dma_wait3A_104 = tpu.memref_slice %arg8[%dma_wait3A_103] : memref<6784xi32, #tpu.memory_space<vmem>> -> memref<6784xi32, #tpu.memory_space<vmem>>
        %dma_wait3A_105 = tpu.memref_slice %arg4[%add3A_83] : memref<321536xi32, #tpu.memory_space<hbm>> -> memref<6784xi32, #tpu.memory_space<hbm>>
        tpu.wait_dma2 semaphore(%run_scoped3A : memref<!tpu.dma_semaphore, #tpu.memory_space<semaphore_mem>>) src(%dma_wait3A_105 : memref<6784xi32, #tpu.memory_space<hbm>>) dst(%dma_wait3A_104 : memref<6784xi32, #tpu.memory_space<vmem>>)
        tpu.yield
      }) : () -> ()
      %scan3A_84 = arith.constant 0 : i32
      %scan3A_85 = arith.constant 53 : i32
      %scan3A_86 = arith.addi %scan3A_84, %scan3A_85 : i32
      %scan3A_87 = arith.constant 1 : i32
      scf.for %scan3A_96 = %scan3A_84 to %scan3A_86 step %scan3A_87  : i32 {
        %mul3A_97 = arith.constant 1 : i32
        %mul3A_98 = arith.muli %scan3A_96, %mul3A_97 : i32
        %add3A_99 = arith.constant 0 : i32
        %add3A_100 = arith.addi %add3A_99, %mul3A_98 : i32
        %mul3A_101 = arith.constant 128 : i32
        %mul3A_102 = arith.muli %add3A_100, %mul3A_101 : i32
        %mul3A_103 = arith.constant 128 : i32
        %mul3A_104 = arith.muli %add3A_100, %mul3A_103 : i32
        %dma_start3A = tpu.memref_slice %arg7[%mul3A_102] : memref<6784xi32, #tpu.memory_space<vmem>> -> memref<128xi32, #tpu.memory_space<vmem>>
        %dma_start3A_105 = arith.constant 0 : i32
        %dma_start3A_106 = arith.constant 0 : i32
        %dma_start3A_107 = tpu.memref_slice %arg2[%dma_start3A_105, %dma_start3A_106] : memref<10240x128xf32, #tpu.memory_space<hbm>> -> memref<10240x128xf32, #tpu.memory_space<hbm>>
        tpu.enqueue_indirect_dma source(%dma_start3A_107 : memref<10240x128xf32, #tpu.memory_space<hbm>>) target(%arg9 : memref<128x128xf32, #tpu.memory_space<vmem>>) offsets(%dma_start3A : memref<128xi32, #tpu.memory_space<vmem>>) semaphore(%arg14 : memref<!tpu.dma_semaphore, #tpu.memory_space<semaphore_mem>>)
        %dma_wait3A = tpu.memref_slice %arg7[%mul3A_102] : memref<6784xi32, #tpu.memory_space<vmem>> -> memref<128xi32, #tpu.memory_space<vmem>>
        %dma_wait3A_108 = arith.constant 0 : i32
        %dma_wait3A_109 = arith.constant 0 : i32
        %dma_wait3A_110 = tpu.memref_slice %arg2[%dma_wait3A_108, %dma_wait3A_109] : memref<10240x128xf32, #tpu.memory_space<hbm>> -> memref<10240x128xf32, #tpu.memory_space<hbm>>
        tpu.wait_indirect_dma semaphore(%arg14 : memref<!tpu.dma_semaphore, #tpu.memory_space<semaphore_mem>>) src(%dma_wait3A_110 : memref<10240x128xf32, #tpu.memory_space<hbm>>) dst(%arg9 : memref<128x128xf32, #tpu.memory_space<vmem>>)
        "tpu.region"() ({
          %run_scoped3A = tpu.sem_alloc : memref<!tpu.dma_semaphore, #tpu.memory_space<semaphore_mem>>
          %dma_start3A_111 = tpu.memref_slice %arg8[%mul3A_104] : memref<6784xi32, #tpu.memory_space<vmem>> -> memref<128xi32, #tpu.memory_space<vmem>>
          %dma_start3A_112 = arith.constant 0 : i32
          %dma_start3A_113 = arith.constant 0 : i32
          %dma_start3A_114 = tpu.memref_slice %arg12[%dma_start3A_112, %dma_start3A_113] : memref<10240x128xf32, #tpu.memory_space<vmem_shared>> -> memref<10240x128xf32, #tpu.memory_space<vmem_shared>>
          tpu.enqueue_indirect_dma source(%arg9 : memref<128x128xf32, #tpu.memory_space<vmem>>) target(%dma_start3A_114 : memref<10240x128xf32, #tpu.memory_space<vmem_shared>>) offsets(%dma_start3A_111 : memref<128xi32, #tpu.memory_space<vmem>>) semaphore(%run_scoped3A : memref<!tpu.dma_semaphore, #tpu.memory_space<semaphore_mem>>) {add = true}
          %dma_wait3A_115 = tpu.memref_slice %arg8[%mul3A_104] : memref<6784xi32, #tpu.memory_space<vmem>> -> memref<128xi32, #tpu.memory_space<vmem>>
          %dma_wait3A_116 = arith.constant 0 : i32
          %dma_wait3A_117 = arith.constant 0 : i32
          %dma_wait3A_118 = tpu.memref_slice %arg12[%dma_wait3A_116, %dma_wait3A_117] : memref<10240x128xf32, #tpu.memory_space<vmem_shared>> -> memref<10240x128xf32, #tpu.memory_space<vmem_shared>>
          tpu.wait_indirect_dma semaphore(%run_scoped3A : memref<!tpu.dma_semaphore, #tpu.memory_space<semaphore_mem>>) src(%arg9 : memref<128x128xf32, #tpu.memory_space<vmem>>) dst(%dma_wait3A_118 : memref<10240x128xf32, #tpu.memory_space<vmem_shared>>)
          tpu.yield
        }) : () -> ()
        "tpu.region"() ({
          %run_scoped3A = tpu.sem_alloc : memref<!tpu.dma_semaphore, #tpu.memory_space<semaphore_mem>>
          %dma_start3A_111 = tpu.memref_slice %arg8[%mul3A_104] : memref<6784xi32, #tpu.memory_space<vmem>> -> memref<128xi32, #tpu.memory_space<vmem>>
          %dma_start3A_112 = tpu.memref_slice %arg13[%mul3A_31] : memref<163840xf32, #tpu.memory_space<vmem_shared>> -> memref<10240xf32, #tpu.memory_space<vmem_shared>>
          %dma_start3A_113 = arith.constant 0 : i32
          %dma_start3A_114 = tpu.memref_slice %dma_start3A_112[%dma_start3A_113] : memref<10240xf32, #tpu.memory_space<vmem_shared>> -> memref<10240xf32, #tpu.memory_space<vmem_shared>>
          tpu.enqueue_indirect_dma source(%arg11 : memref<128xf32, #tpu.memory_space<vmem>>) target(%dma_start3A_114 : memref<10240xf32, #tpu.memory_space<vmem_shared>>) offsets(%dma_start3A_111 : memref<128xi32, #tpu.memory_space<vmem>>) semaphore(%run_scoped3A : memref<!tpu.dma_semaphore, #tpu.memory_space<semaphore_mem>>) {add = true}
          %dma_wait3A_115 = tpu.memref_slice %arg8[%mul3A_104] : memref<6784xi32, #tpu.memory_space<vmem>> -> memref<128xi32, #tpu.memory_space<vmem>>
          %dma_wait3A_116 = tpu.memref_slice %arg13[%mul3A_31] : memref<163840xf32, #tpu.memory_space<vmem_shared>> -> memref<10240xf32, #tpu.memory_space<vmem_shared>>
          %dma_wait3A_117 = arith.constant 0 : i32
          %dma_wait3A_118 = tpu.memref_slice %dma_wait3A_116[%dma_wait3A_117] : memref<10240xf32, #tpu.memory_space<vmem_shared>> -> memref<10240xf32, #tpu.memory_space<vmem_shared>>
          tpu.wait_indirect_dma semaphore(%run_scoped3A : memref<!tpu.dma_semaphore, #tpu.memory_space<semaphore_mem>>) src(%arg11 : memref<128xf32, #tpu.memory_space<vmem>>) dst(%dma_wait3A_118 : memref<10240xf32, #tpu.memory_space<vmem_shared>>)
          tpu.yield
        }) : () -> ()
      }
      %scan3A_88 = arith.constant 53 : i32
      %add3A_89 = arith.constant 6784 : i32
      %add3A_90 = arith.addi %mul3A_81, %add3A_89 : i32
      "tpu.region"() ({
        %run_scoped3A = tpu.sem_alloc : memref<!tpu.dma_semaphore, #tpu.memory_space<semaphore_mem>>
        %dma_start3A = arith.constant 0 : i32
        %dma_start3A_96 = tpu.memref_slice %arg7[%dma_start3A] : memref<6784xi32, #tpu.memory_space<vmem>> -> memref<5376xi32, #tpu.memory_space<vmem>>
        %dma_start3A_97 = tpu.memref_slice %arg3[%add3A_90] : memref<321536xi32, #tpu.memory_space<hbm>> -> memref<5376xi32, #tpu.memory_space<hbm>>
        %dma_start3A_98 = arith.constant 0 : i32
        %dma_start3A_99 = tpu.memref_slice %arg7[%dma_start3A_98] : memref<6784xi32, #tpu.memory_space<vmem>> -> memref<5376xi32, #tpu.memory_space<vmem>>
        %dma_start3A_100 = tpu.memref_slice %arg3[%add3A_90] : memref<321536xi32, #tpu.memory_space<hbm>> -> memref<5376xi32, #tpu.memory_space<hbm>>
        tpu.enqueue_dma source(%dma_start3A_100 : memref<5376xi32, #tpu.memory_space<hbm>>) target(%dma_start3A_99 : memref<5376xi32, #tpu.memory_space<vmem>>) target_semaphore(%run_scoped3A : memref<!tpu.dma_semaphore, #tpu.memory_space<semaphore_mem>>)
        %dma_wait3A = arith.constant 0 : i32
        %dma_wait3A_101 = tpu.memref_slice %arg7[%dma_wait3A] : memref<6784xi32, #tpu.memory_space<vmem>> -> memref<5376xi32, #tpu.memory_space<vmem>>
        %dma_wait3A_102 = tpu.memref_slice %arg3[%add3A_90] : memref<321536xi32, #tpu.memory_space<hbm>> -> memref<5376xi32, #tpu.memory_space<hbm>>
        %dma_wait3A_103 = arith.constant 0 : i32
        %dma_wait3A_104 = tpu.memref_slice %arg7[%dma_wait3A_103] : memref<6784xi32, #tpu.memory_space<vmem>> -> memref<5376xi32, #tpu.memory_space<vmem>>
        %dma_wait3A_105 = tpu.memref_slice %arg3[%add3A_90] : memref<321536xi32, #tpu.memory_space<hbm>> -> memref<5376xi32, #tpu.memory_space<hbm>>
        tpu.wait_dma2 semaphore(%run_scoped3A : memref<!tpu.dma_semaphore, #tpu.memory_space<semaphore_mem>>) src(%dma_wait3A_105 : memref<5376xi32, #tpu.memory_space<hbm>>) dst(%dma_wait3A_104 : memref<5376xi32, #tpu.memory_space<vmem>>)
        tpu.yield
      }) : () -> ()
      "tpu.region"() ({
        %run_scoped3A = tpu.sem_alloc : memref<!tpu.dma_semaphore, #tpu.memory_space<semaphore_mem>>
        %dma_start3A = arith.constant 0 : i32
        %dma_start3A_96 = tpu.memref_slice %arg8[%dma_start3A] : memref<6784xi32, #tpu.memory_space<vmem>> -> memref<5376xi32, #tpu.memory_space<vmem>>
        %dma_start3A_97 = tpu.memref_slice %arg4[%add3A_90] : memref<321536xi32, #tpu.memory_space<hbm>> -> memref<5376xi32, #tpu.memory_space<hbm>>
        %dma_start3A_98 = arith.constant 0 : i32
        %dma_start3A_99 = tpu.memref_slice %arg8[%dma_start3A_98] : memref<6784xi32, #tpu.memory_space<vmem>> -> memref<5376xi32, #tpu.memory_space<vmem>>
        %dma_start3A_100 = tpu.memref_slice %arg4[%add3A_90] : memref<321536xi32, #tpu.memory_space<hbm>> -> memref<5376xi32, #tpu.memory_space<hbm>>
        tpu.enqueue_dma source(%dma_start3A_100 : memref<5376xi32, #tpu.memory_space<hbm>>) target(%dma_start3A_99 : memref<5376xi32, #tpu.memory_space<vmem>>) target_semaphore(%run_scoped3A : memref<!tpu.dma_semaphore, #tpu.memory_space<semaphore_mem>>)
        %dma_wait3A = arith.constant 0 : i32
        %dma_wait3A_101 = tpu.memref_slice %arg8[%dma_wait3A] : memref<6784xi32, #tpu.memory_space<vmem>> -> memref<5376xi32, #tpu.memory_space<vmem>>
        %dma_wait3A_102 = tpu.memref_slice %arg4[%add3A_90] : memref<321536xi32, #tpu.memory_space<hbm>> -> memref<5376xi32, #tpu.memory_space<hbm>>
        %dma_wait3A_103 = arith.constant 0 : i32
        %dma_wait3A_104 = tpu.memref_slice %arg8[%dma_wait3A_103] : memref<6784xi32, #tpu.memory_space<vmem>> -> memref<5376xi32, #tpu.memory_space<vmem>>
        %dma_wait3A_105 = tpu.memref_slice %arg4[%add3A_90] : memref<321536xi32, #tpu.memory_space<hbm>> -> memref<5376xi32, #tpu.memory_space<hbm>>
        tpu.wait_dma2 semaphore(%run_scoped3A : memref<!tpu.dma_semaphore, #tpu.memory_space<semaphore_mem>>) src(%dma_wait3A_105 : memref<5376xi32, #tpu.memory_space<hbm>>) dst(%dma_wait3A_104 : memref<5376xi32, #tpu.memory_space<vmem>>)
        tpu.yield
      }) : () -> ()
      %scan3A_91 = arith.constant 0 : i32
      %scan3A_92 = arith.constant 42 : i32
      %scan3A_93 = arith.addi %scan3A_91, %scan3A_92 : i32
      %scan3A_94 = arith.constant 1 : i32
      scf.for %scan3A_96 = %scan3A_91 to %scan3A_93 step %scan3A_94  : i32 {
        %mul3A_97 = arith.constant 1 : i32
        %mul3A_98 = arith.muli %scan3A_96, %mul3A_97 : i32
        %add3A_99 = arith.constant 0 : i32
        %add3A_100 = arith.addi %add3A_99, %mul3A_98 : i32
        %mul3A_101 = arith.constant 128 : i32
        %mul3A_102 = arith.muli %add3A_100, %mul3A_101 : i32
        %mul3A_103 = arith.constant 128 : i32
        %mul3A_104 = arith.muli %add3A_100, %mul3A_103 : i32
        %dma_start3A = tpu.memref_slice %arg7[%mul3A_102] : memref<6784xi32, #tpu.memory_space<vmem>> -> memref<128xi32, #tpu.memory_space<vmem>>
        %dma_start3A_105 = arith.constant 0 : i32
        %dma_start3A_106 = arith.constant 0 : i32
        %dma_start3A_107 = tpu.memref_slice %arg2[%dma_start3A_105, %dma_start3A_106] : memref<10240x128xf32, #tpu.memory_space<hbm>> -> memref<10240x128xf32, #tpu.memory_space<hbm>>
        tpu.enqueue_indirect_dma source(%dma_start3A_107 : memref<10240x128xf32, #tpu.memory_space<hbm>>) target(%arg9 : memref<128x128xf32, #tpu.memory_space<vmem>>) offsets(%dma_start3A : memref<128xi32, #tpu.memory_space<vmem>>) semaphore(%arg14 : memref<!tpu.dma_semaphore, #tpu.memory_space<semaphore_mem>>)
        %dma_wait3A = tpu.memref_slice %arg7[%mul3A_102] : memref<6784xi32, #tpu.memory_space<vmem>> -> memref<128xi32, #tpu.memory_space<vmem>>
        %dma_wait3A_108 = arith.constant 0 : i32
        %dma_wait3A_109 = arith.constant 0 : i32
        %dma_wait3A_110 = tpu.memref_slice %arg2[%dma_wait3A_108, %dma_wait3A_109] : memref<10240x128xf32, #tpu.memory_space<hbm>> -> memref<10240x128xf32, #tpu.memory_space<hbm>>
        tpu.wait_indirect_dma semaphore(%arg14 : memref<!tpu.dma_semaphore, #tpu.memory_space<semaphore_mem>>) src(%dma_wait3A_110 : memref<10240x128xf32, #tpu.memory_space<hbm>>) dst(%arg9 : memref<128x128xf32, #tpu.memory_space<vmem>>)
        "tpu.region"() ({
          %run_scoped3A = tpu.sem_alloc : memref<!tpu.dma_semaphore, #tpu.memory_space<semaphore_mem>>
          %dma_start3A_111 = tpu.memref_slice %arg8[%mul3A_104] : memref<6784xi32, #tpu.memory_space<vmem>> -> memref<128xi32, #tpu.memory_space<vmem>>
          %dma_start3A_112 = arith.constant 0 : i32
          %dma_start3A_113 = arith.constant 0 : i32
          %dma_start3A_114 = tpu.memref_slice %arg12[%dma_start3A_112, %dma_start3A_113] : memref<10240x128xf32, #tpu.memory_space<vmem_shared>> -> memref<10240x128xf32, #tpu.memory_space<vmem_shared>>
          tpu.enqueue_indirect_dma source(%arg9 : memref<128x128xf32, #tpu.memory_space<vmem>>) target(%dma_start3A_114 : memref<10240x128xf32, #tpu.memory_space<vmem_shared>>) offsets(%dma_start3A_111 : memref<128xi32, #tpu.memory_space<vmem>>) semaphore(%run_scoped3A : memref<!tpu.dma_semaphore, #tpu.memory_space<semaphore_mem>>) {add = true}
          %dma_wait3A_115 = tpu.memref_slice %arg8[%mul3A_104] : memref<6784xi32, #tpu.memory_space<vmem>> -> memref<128xi32, #tpu.memory_space<vmem>>
          %dma_wait3A_116 = arith.constant 0 : i32
          %dma_wait3A_117 = arith.constant 0 : i32
          %dma_wait3A_118 = tpu.memref_slice %arg12[%dma_wait3A_116, %dma_wait3A_117] : memref<10240x128xf32, #tpu.memory_space<vmem_shared>> -> memref<10240x128xf32, #tpu.memory_space<vmem_shared>>
          tpu.wait_indirect_dma semaphore(%run_scoped3A : memref<!tpu.dma_semaphore, #tpu.memory_space<semaphore_mem>>) src(%arg9 : memref<128x128xf32, #tpu.memory_space<vmem>>) dst(%dma_wait3A_118 : memref<10240x128xf32, #tpu.memory_space<vmem_shared>>)
          tpu.yield
        }) : () -> ()
        "tpu.region"() ({
          %run_scoped3A = tpu.sem_alloc : memref<!tpu.dma_semaphore, #tpu.memory_space<semaphore_mem>>
          %dma_start3A_111 = tpu.memref_slice %arg8[%mul3A_104] : memref<6784xi32, #tpu.memory_space<vmem>> -> memref<128xi32, #tpu.memory_space<vmem>>
          %dma_start3A_112 = tpu.memref_slice %arg13[%mul3A_31] : memref<163840xf32, #tpu.memory_space<vmem_shared>> -> memref<10240xf32, #tpu.memory_space<vmem_shared>>
          %dma_start3A_113 = arith.constant 0 : i32
          %dma_start3A_114 = tpu.memref_slice %dma_start3A_112[%dma_start3A_113] : memref<10240xf32, #tpu.memory_space<vmem_shared>> -> memref<10240xf32, #tpu.memory_space<vmem_shared>>
          tpu.enqueue_indirect_dma source(%arg11 : memref<128xf32, #tpu.memory_space<vmem>>) target(%dma_start3A_114 : memref<10240xf32, #tpu.memory_space<vmem_shared>>) offsets(%dma_start3A_111 : memref<128xi32, #tpu.memory_space<vmem>>) semaphore(%run_scoped3A : memref<!tpu.dma_semaphore, #tpu.memory_space<semaphore_mem>>) {add = true}
          %dma_wait3A_115 = tpu.memref_slice %arg8[%mul3A_104] : memref<6784xi32, #tpu.memory_space<vmem>> -> memref<128xi32, #tpu.memory_space<vmem>>
          %dma_wait3A_116 = tpu.memref_slice %arg13[%mul3A_31] : memref<163840xf32, #tpu.memory_space<vmem_shared>> -> memref<10240xf32, #tpu.memory_space<vmem_shared>>
          %dma_wait3A_117 = arith.constant 0 : i32
          %dma_wait3A_118 = tpu.memref_slice %dma_wait3A_116[%dma_wait3A_117] : memref<10240xf32, #tpu.memory_space<vmem_shared>> -> memref<10240xf32, #tpu.memory_space<vmem_shared>>
          tpu.wait_indirect_dma semaphore(%run_scoped3A : memref<!tpu.dma_semaphore, #tpu.memory_space<semaphore_mem>>) src(%arg11 : memref<128xf32, #tpu.memory_space<vmem>>) dst(%dma_wait3A_118 : memref<10240xf32, #tpu.memory_space<vmem_shared>>)
          tpu.yield
        }) : () -> ()
      }
      %scan3A_95 = arith.constant 42 : i32
    } else {
    }
    %eq3A_74 = arith.constant 1 : i32
    %eq3A_75 = arith.cmpi eq, %arg0, %eq3A_74 : i32
    %convert_element_type3A_76 = arith.extui %eq3A_75 : i1 to i32
    %cond3A_77 = arith.constant 0 : i32
    %cond3A_78 = arith.cmpi ne, %convert_element_type3A_76, %cond3A_77 : i32
    scf.if %cond3A_78 {
      %mul3A_80 = arith.constant 20096 : i32
      %mul3A_81 = arith.muli %arg1, %mul3A_80 : i32
      %add3A_82 = arith.constant 12160 : i32
      %add3A_83 = arith.addi %mul3A_81, %add3A_82 : i32
      %add3A_84 = arith.constant 0 : i32
      %add3A_85 = arith.addi %add3A_83, %add3A_84 : i32
      "tpu.region"() ({
        %run_scoped3A = tpu.sem_alloc : memref<!tpu.dma_semaphore, #tpu.memory_space<semaphore_mem>>
        %dma_start3A = arith.constant 0 : i32
        %dma_start3A_98 = tpu.memref_slice %arg7[%dma_start3A] : memref<6784xi32, #tpu.memory_space<vmem>> -> memref<6784xi32, #tpu.memory_space<vmem>>
        %dma_start3A_99 = tpu.memref_slice %arg3[%add3A_85] : memref<321536xi32, #tpu.memory_space<hbm>> -> memref<6784xi32, #tpu.memory_space<hbm>>
        %dma_start3A_100 = arith.constant 0 : i32
        %dma_start3A_101 = tpu.memref_slice %arg7[%dma_start3A_100] : memref<6784xi32, #tpu.memory_space<vmem>> -> memref<6784xi32, #tpu.memory_space<vmem>>
        %dma_start3A_102 = tpu.memref_slice %arg3[%add3A_85] : memref<321536xi32, #tpu.memory_space<hbm>> -> memref<6784xi32, #tpu.memory_space<hbm>>
        tpu.enqueue_dma source(%dma_start3A_102 : memref<6784xi32, #tpu.memory_space<hbm>>) target(%dma_start3A_101 : memref<6784xi32, #tpu.memory_space<vmem>>) target_semaphore(%run_scoped3A : memref<!tpu.dma_semaphore, #tpu.memory_space<semaphore_mem>>)
        %dma_wait3A = arith.constant 0 : i32
        %dma_wait3A_103 = tpu.memref_slice %arg7[%dma_wait3A] : memref<6784xi32, #tpu.memory_space<vmem>> -> memref<6784xi32, #tpu.memory_space<vmem>>
        %dma_wait3A_104 = tpu.memref_slice %arg3[%add3A_85] : memref<321536xi32, #tpu.memory_space<hbm>> -> memref<6784xi32, #tpu.memory_space<hbm>>
        %dma_wait3A_105 = arith.constant 0 : i32
        %dma_wait3A_106 = tpu.memref_slice %arg7[%dma_wait3A_105] : memref<6784xi32, #tpu.memory_space<vmem>> -> memref<6784xi32, #tpu.memory_space<vmem>>
        %dma_wait3A_107 = tpu.memref_slice %arg3[%add3A_85] : memref<321536xi32, #tpu.memory_space<hbm>> -> memref<6784xi32, #tpu.memory_space<hbm>>
        tpu.wait_dma2 semaphore(%run_scoped3A : memref<!tpu.dma_semaphore, #tpu.memory_space<semaphore_mem>>) src(%dma_wait3A_107 : memref<6784xi32, #tpu.memory_space<hbm>>) dst(%dma_wait3A_106 : memref<6784xi32, #tpu.memory_space<vmem>>)
        tpu.yield
      }) : () -> ()
      "tpu.region"() ({
        %run_scoped3A = tpu.sem_alloc : memref<!tpu.dma_semaphore, #tpu.memory_space<semaphore_mem>>
        %dma_start3A = arith.constant 0 : i32
        %dma_start3A_98 = tpu.memref_slice %arg8[%dma_start3A] : memref<6784xi32, #tpu.memory_space<vmem>> -> memref<6784xi32, #tpu.memory_space<vmem>>
        %dma_start3A_99 = tpu.memref_slice %arg4[%add3A_85] : memref<321536xi32, #tpu.memory_space<hbm>> -> memref<6784xi32, #tpu.memory_space<hbm>>
        %dma_start3A_100 = arith.constant 0 : i32
        %dma_start3A_101 = tpu.memref_slice %arg8[%dma_start3A_100] : memref<6784xi32, #tpu.memory_space<vmem>> -> memref<6784xi32, #tpu.memory_space<vmem>>
        %dma_start3A_102 = tpu.memref_slice %arg4[%add3A_85] : memref<321536xi32, #tpu.memory_space<hbm>> -> memref<6784xi32, #tpu.memory_space<hbm>>
        tpu.enqueue_dma source(%dma_start3A_102 : memref<6784xi32, #tpu.memory_space<hbm>>) target(%dma_start3A_101 : memref<6784xi32, #tpu.memory_space<vmem>>) target_semaphore(%run_scoped3A : memref<!tpu.dma_semaphore, #tpu.memory_space<semaphore_mem>>)
        %dma_wait3A = arith.constant 0 : i32
        %dma_wait3A_103 = tpu.memref_slice %arg8[%dma_wait3A] : memref<6784xi32, #tpu.memory_space<vmem>> -> memref<6784xi32, #tpu.memory_space<vmem>>
        %dma_wait3A_104 = tpu.memref_slice %arg4[%add3A_85] : memref<321536xi32, #tpu.memory_space<hbm>> -> memref<6784xi32, #tpu.memory_space<hbm>>
        %dma_wait3A_105 = arith.constant 0 : i32
        %dma_wait3A_106 = tpu.memref_slice %arg8[%dma_wait3A_105] : memref<6784xi32, #tpu.memory_space<vmem>> -> memref<6784xi32, #tpu.memory_space<vmem>>
        %dma_wait3A_107 = tpu.memref_slice %arg4[%add3A_85] : memref<321536xi32, #tpu.memory_space<hbm>> -> memref<6784xi32, #tpu.memory_space<hbm>>
        tpu.wait_dma2 semaphore(%run_scoped3A : memref<!tpu.dma_semaphore, #tpu.memory_space<semaphore_mem>>) src(%dma_wait3A_107 : memref<6784xi32, #tpu.memory_space<hbm>>) dst(%dma_wait3A_106 : memref<6784xi32, #tpu.memory_space<vmem>>)
        tpu.yield
      }) : () -> ()
      %scan3A_86 = arith.constant 0 : i32
      %scan3A_87 = arith.constant 53 : i32
      %scan3A_88 = arith.addi %scan3A_86, %scan3A_87 : i32
      %scan3A_89 = arith.constant 1 : i32
      scf.for %scan3A_98 = %scan3A_86 to %scan3A_88 step %scan3A_89  : i32 {
        %mul3A_99 = arith.constant 1 : i32
        %mul3A_100 = arith.muli %scan3A_98, %mul3A_99 : i32
        %add3A_101 = arith.constant 0 : i32
        %add3A_102 = arith.addi %add3A_101, %mul3A_100 : i32
        %mul3A_103 = arith.constant 128 : i32
        %mul3A_104 = arith.muli %add3A_102, %mul3A_103 : i32
        %mul3A_105 = arith.constant 128 : i32
        %mul3A_106 = arith.muli %add3A_102, %mul3A_105 : i32
        %dma_start3A = tpu.memref_slice %arg7[%mul3A_104] : memref<6784xi32, #tpu.memory_space<vmem>> -> memref<128xi32, #tpu.memory_space<vmem>>
        %dma_start3A_107 = arith.constant 0 : i32
        %dma_start3A_108 = arith.constant 0 : i32
        %dma_start3A_109 = tpu.memref_slice %arg2[%dma_start3A_107, %dma_start3A_108] : memref<10240x128xf32, #tpu.memory_space<hbm>> -> memref<10240x128xf32, #tpu.memory_space<hbm>>
        tpu.enqueue_indirect_dma source(%dma_start3A_109 : memref<10240x128xf32, #tpu.memory_space<hbm>>) target(%arg9 : memref<128x128xf32, #tpu.memory_space<vmem>>) offsets(%dma_start3A : memref<128xi32, #tpu.memory_space<vmem>>) semaphore(%arg14 : memref<!tpu.dma_semaphore, #tpu.memory_space<semaphore_mem>>)
        %dma_wait3A = tpu.memref_slice %arg7[%mul3A_104] : memref<6784xi32, #tpu.memory_space<vmem>> -> memref<128xi32, #tpu.memory_space<vmem>>
        %dma_wait3A_110 = arith.constant 0 : i32
        %dma_wait3A_111 = arith.constant 0 : i32
        %dma_wait3A_112 = tpu.memref_slice %arg2[%dma_wait3A_110, %dma_wait3A_111] : memref<10240x128xf32, #tpu.memory_space<hbm>> -> memref<10240x128xf32, #tpu.memory_space<hbm>>
        tpu.wait_indirect_dma semaphore(%arg14 : memref<!tpu.dma_semaphore, #tpu.memory_space<semaphore_mem>>) src(%dma_wait3A_112 : memref<10240x128xf32, #tpu.memory_space<hbm>>) dst(%arg9 : memref<128x128xf32, #tpu.memory_space<vmem>>)
        "tpu.region"() ({
          %run_scoped3A = tpu.sem_alloc : memref<!tpu.dma_semaphore, #tpu.memory_space<semaphore_mem>>
          %dma_start3A_113 = tpu.memref_slice %arg8[%mul3A_106] : memref<6784xi32, #tpu.memory_space<vmem>> -> memref<128xi32, #tpu.memory_space<vmem>>
          %dma_start3A_114 = arith.constant 0 : i32
          %dma_start3A_115 = arith.constant 0 : i32
          %dma_start3A_116 = tpu.memref_slice %arg12[%dma_start3A_114, %dma_start3A_115] : memref<10240x128xf32, #tpu.memory_space<vmem_shared>> -> memref<10240x128xf32, #tpu.memory_space<vmem_shared>>
          tpu.enqueue_indirect_dma source(%arg9 : memref<128x128xf32, #tpu.memory_space<vmem>>) target(%dma_start3A_116 : memref<10240x128xf32, #tpu.memory_space<vmem_shared>>) offsets(%dma_start3A_113 : memref<128xi32, #tpu.memory_space<vmem>>) semaphore(%run_scoped3A : memref<!tpu.dma_semaphore, #tpu.memory_space<semaphore_mem>>) {add = true}
          %dma_wait3A_117 = tpu.memref_slice %arg8[%mul3A_106] : memref<6784xi32, #tpu.memory_space<vmem>> -> memref<128xi32, #tpu.memory_space<vmem>>
          %dma_wait3A_118 = arith.constant 0 : i32
          %dma_wait3A_119 = arith.constant 0 : i32
          %dma_wait3A_120 = tpu.memref_slice %arg12[%dma_wait3A_118, %dma_wait3A_119] : memref<10240x128xf32, #tpu.memory_space<vmem_shared>> -> memref<10240x128xf32, #tpu.memory_space<vmem_shared>>
          tpu.wait_indirect_dma semaphore(%run_scoped3A : memref<!tpu.dma_semaphore, #tpu.memory_space<semaphore_mem>>) src(%arg9 : memref<128x128xf32, #tpu.memory_space<vmem>>) dst(%dma_wait3A_120 : memref<10240x128xf32, #tpu.memory_space<vmem_shared>>)
          tpu.yield
        }) : () -> ()
        "tpu.region"() ({
          %run_scoped3A = tpu.sem_alloc : memref<!tpu.dma_semaphore, #tpu.memory_space<semaphore_mem>>
          %dma_start3A_113 = tpu.memref_slice %arg8[%mul3A_106] : memref<6784xi32, #tpu.memory_space<vmem>> -> memref<128xi32, #tpu.memory_space<vmem>>
          %dma_start3A_114 = tpu.memref_slice %arg13[%mul3A_31] : memref<163840xf32, #tpu.memory_space<vmem_shared>> -> memref<10240xf32, #tpu.memory_space<vmem_shared>>
          %dma_start3A_115 = arith.constant 0 : i32
          %dma_start3A_116 = tpu.memref_slice %dma_start3A_114[%dma_start3A_115] : memref<10240xf32, #tpu.memory_space<vmem_shared>> -> memref<10240xf32, #tpu.memory_space<vmem_shared>>
          tpu.enqueue_indirect_dma source(%arg11 : memref<128xf32, #tpu.memory_space<vmem>>) target(%dma_start3A_116 : memref<10240xf32, #tpu.memory_space<vmem_shared>>) offsets(%dma_start3A_113 : memref<128xi32, #tpu.memory_space<vmem>>) semaphore(%run_scoped3A : memref<!tpu.dma_semaphore, #tpu.memory_space<semaphore_mem>>) {add = true}
          %dma_wait3A_117 = tpu.memref_slice %arg8[%mul3A_106] : memref<6784xi32, #tpu.memory_space<vmem>> -> memref<128xi32, #tpu.memory_space<vmem>>
          %dma_wait3A_118 = tpu.memref_slice %arg13[%mul3A_31] : memref<163840xf32, #tpu.memory_space<vmem_shared>> -> memref<10240xf32, #tpu.memory_space<vmem_shared>>
          %dma_wait3A_119 = arith.constant 0 : i32
          %dma_wait3A_120 = tpu.memref_slice %dma_wait3A_118[%dma_wait3A_119] : memref<10240xf32, #tpu.memory_space<vmem_shared>> -> memref<10240xf32, #tpu.memory_space<vmem_shared>>
          tpu.wait_indirect_dma semaphore(%run_scoped3A : memref<!tpu.dma_semaphore, #tpu.memory_space<semaphore_mem>>) src(%arg11 : memref<128xf32, #tpu.memory_space<vmem>>) dst(%dma_wait3A_120 : memref<10240xf32, #tpu.memory_space<vmem_shared>>)
          tpu.yield
        }) : () -> ()
      }
      %scan3A_90 = arith.constant 53 : i32
      %add3A_91 = arith.constant 6784 : i32
      %add3A_92 = arith.addi %add3A_83, %add3A_91 : i32
      "tpu.region"() ({
        %run_scoped3A = tpu.sem_alloc : memref<!tpu.dma_semaphore, #tpu.memory_space<semaphore_mem>>
        %dma_start3A = arith.constant 0 : i32
        %dma_start3A_98 = tpu.memref_slice %arg7[%dma_start3A] : memref<6784xi32, #tpu.memory_space<vmem>> -> memref<1152xi32, #tpu.memory_space<vmem>>
        %dma_start3A_99 = tpu.memref_slice %arg3[%add3A_92] : memref<321536xi32, #tpu.memory_space<hbm>> -> memref<1152xi32, #tpu.memory_space<hbm>>
        %dma_start3A_100 = arith.constant 0 : i32
        %dma_start3A_101 = tpu.memref_slice %arg7[%dma_start3A_100] : memref<6784xi32, #tpu.memory_space<vmem>> -> memref<1152xi32, #tpu.memory_space<vmem>>
        %dma_start3A_102 = tpu.memref_slice %arg3[%add3A_92] : memref<321536xi32, #tpu.memory_space<hbm>> -> memref<1152xi32, #tpu.memory_space<hbm>>
        tpu.enqueue_dma source(%dma_start3A_102 : memref<1152xi32, #tpu.memory_space<hbm>>) target(%dma_start3A_101 : memref<1152xi32, #tpu.memory_space<vmem>>) target_semaphore(%run_scoped3A : memref<!tpu.dma_semaphore, #tpu.memory_space<semaphore_mem>>)
        %dma_wait3A = arith.constant 0 : i32
        %dma_wait3A_103 = tpu.memref_slice %arg7[%dma_wait3A] : memref<6784xi32, #tpu.memory_space<vmem>> -> memref<1152xi32, #tpu.memory_space<vmem>>
        %dma_wait3A_104 = tpu.memref_slice %arg3[%add3A_92] : memref<321536xi32, #tpu.memory_space<hbm>> -> memref<1152xi32, #tpu.memory_space<hbm>>
        %dma_wait3A_105 = arith.constant 0 : i32
        %dma_wait3A_106 = tpu.memref_slice %arg7[%dma_wait3A_105] : memref<6784xi32, #tpu.memory_space<vmem>> -> memref<1152xi32, #tpu.memory_space<vmem>>
        %dma_wait3A_107 = tpu.memref_slice %arg3[%add3A_92] : memref<321536xi32, #tpu.memory_space<hbm>> -> memref<1152xi32, #tpu.memory_space<hbm>>
        tpu.wait_dma2 semaphore(%run_scoped3A : memref<!tpu.dma_semaphore, #tpu.memory_space<semaphore_mem>>) src(%dma_wait3A_107 : memref<1152xi32, #tpu.memory_space<hbm>>) dst(%dma_wait3A_106 : memref<1152xi32, #tpu.memory_space<vmem>>)
        tpu.yield
      }) : () -> ()
      "tpu.region"() ({
        %run_scoped3A = tpu.sem_alloc : memref<!tpu.dma_semaphore, #tpu.memory_space<semaphore_mem>>
        %dma_start3A = arith.constant 0 : i32
        %dma_start3A_98 = tpu.memref_slice %arg8[%dma_start3A] : memref<6784xi32, #tpu.memory_space<vmem>> -> memref<1152xi32, #tpu.memory_space<vmem>>
        %dma_start3A_99 = tpu.memref_slice %arg4[%add3A_92] : memref<321536xi32, #tpu.memory_space<hbm>> -> memref<1152xi32, #tpu.memory_space<hbm>>
        %dma_start3A_100 = arith.constant 0 : i32
        %dma_start3A_101 = tpu.memref_slice %arg8[%dma_start3A_100] : memref<6784xi32, #tpu.memory_space<vmem>> -> memref<1152xi32, #tpu.memory_space<vmem>>
        %dma_start3A_102 = tpu.memref_slice %arg4[%add3A_92] : memref<321536xi32, #tpu.memory_space<hbm>> -> memref<1152xi32, #tpu.memory_space<hbm>>
        tpu.enqueue_dma source(%dma_start3A_102 : memref<1152xi32, #tpu.memory_space<hbm>>) target(%dma_start3A_101 : memref<1152xi32, #tpu.memory_space<vmem>>) target_semaphore(%run_scoped3A : memref<!tpu.dma_semaphore, #tpu.memory_space<semaphore_mem>>)
        %dma_wait3A = arith.constant 0 : i32
        %dma_wait3A_103 = tpu.memref_slice %arg8[%dma_wait3A] : memref<6784xi32, #tpu.memory_space<vmem>> -> memref<1152xi32, #tpu.memory_space<vmem>>
        %dma_wait3A_104 = tpu.memref_slice %arg4[%add3A_92] : memref<321536xi32, #tpu.memory_space<hbm>> -> memref<1152xi32, #tpu.memory_space<hbm>>
        %dma_wait3A_105 = arith.constant 0 : i32
        %dma_wait3A_106 = tpu.memref_slice %arg8[%dma_wait3A_105] : memref<6784xi32, #tpu.memory_space<vmem>> -> memref<1152xi32, #tpu.memory_space<vmem>>
        %dma_wait3A_107 = tpu.memref_slice %arg4[%add3A_92] : memref<321536xi32, #tpu.memory_space<hbm>> -> memref<1152xi32, #tpu.memory_space<hbm>>
        tpu.wait_dma2 semaphore(%run_scoped3A : memref<!tpu.dma_semaphore, #tpu.memory_space<semaphore_mem>>) src(%dma_wait3A_107 : memref<1152xi32, #tpu.memory_space<hbm>>) dst(%dma_wait3A_106 : memref<1152xi32, #tpu.memory_space<vmem>>)
        tpu.yield
      }) : () -> ()
      %scan3A_93 = arith.constant 0 : i32
      %scan3A_94 = arith.constant 9 : i32
      %scan3A_95 = arith.addi %scan3A_93, %scan3A_94 : i32
      %scan3A_96 = arith.constant 1 : i32
      scf.for %scan3A_98 = %scan3A_93 to %scan3A_95 step %scan3A_96  : i32 {
        %mul3A_99 = arith.constant 1 : i32
        %mul3A_100 = arith.muli %scan3A_98, %mul3A_99 : i32
        %add3A_101 = arith.constant 0 : i32
        %add3A_102 = arith.addi %add3A_101, %mul3A_100 : i32
        %mul3A_103 = arith.constant 128 : i32
        %mul3A_104 = arith.muli %add3A_102, %mul3A_103 : i32
        %mul3A_105 = arith.constant 128 : i32
        %mul3A_106 = arith.muli %add3A_102, %mul3A_105 : i32
        %dma_start3A = tpu.memref_slice %arg7[%mul3A_104] : memref<6784xi32, #tpu.memory_space<vmem>> -> memref<128xi32, #tpu.memory_space<vmem>>
        %dma_start3A_107 = arith.constant 0 : i32
        %dma_start3A_108 = arith.constant 0 : i32
        %dma_start3A_109 = tpu.memref_slice %arg2[%dma_start3A_107, %dma_start3A_108] : memref<10240x128xf32, #tpu.memory_space<hbm>> -> memref<10240x128xf32, #tpu.memory_space<hbm>>
        tpu.enqueue_indirect_dma source(%dma_start3A_109 : memref<10240x128xf32, #tpu.memory_space<hbm>>) target(%arg9 : memref<128x128xf32, #tpu.memory_space<vmem>>) offsets(%dma_start3A : memref<128xi32, #tpu.memory_space<vmem>>) semaphore(%arg14 : memref<!tpu.dma_semaphore, #tpu.memory_space<semaphore_mem>>)
        %dma_wait3A = tpu.memref_slice %arg7[%mul3A_104] : memref<6784xi32, #tpu.memory_space<vmem>> -> memref<128xi32, #tpu.memory_space<vmem>>
        %dma_wait3A_110 = arith.constant 0 : i32
        %dma_wait3A_111 = arith.constant 0 : i32
        %dma_wait3A_112 = tpu.memref_slice %arg2[%dma_wait3A_110, %dma_wait3A_111] : memref<10240x128xf32, #tpu.memory_space<hbm>> -> memref<10240x128xf32, #tpu.memory_space<hbm>>
        tpu.wait_indirect_dma semaphore(%arg14 : memref<!tpu.dma_semaphore, #tpu.memory_space<semaphore_mem>>) src(%dma_wait3A_112 : memref<10240x128xf32, #tpu.memory_space<hbm>>) dst(%arg9 : memref<128x128xf32, #tpu.memory_space<vmem>>)
        "tpu.region"() ({
          %run_scoped3A = tpu.sem_alloc : memref<!tpu.dma_semaphore, #tpu.memory_space<semaphore_mem>>
          %dma_start3A_113 = tpu.memref_slice %arg8[%mul3A_106] : memref<6784xi32, #tpu.memory_space<vmem>> -> memref<128xi32, #tpu.memory_space<vmem>>
          %dma_start3A_114 = arith.constant 0 : i32
          %dma_start3A_115 = arith.constant 0 : i32
          %dma_start3A_116 = tpu.memref_slice %arg12[%dma_start3A_114, %dma_start3A_115] : memref<10240x128xf32, #tpu.memory_space<vmem_shared>> -> memref<10240x128xf32, #tpu.memory_space<vmem_shared>>
          tpu.enqueue_indirect_dma source(%arg9 : memref<128x128xf32, #tpu.memory_space<vmem>>) target(%dma_start3A_116 : memref<10240x128xf32, #tpu.memory_space<vmem_shared>>) offsets(%dma_start3A_113 : memref<128xi32, #tpu.memory_space<vmem>>) semaphore(%run_scoped3A : memref<!tpu.dma_semaphore, #tpu.memory_space<semaphore_mem>>) {add = true}
          %dma_wait3A_117 = tpu.memref_slice %arg8[%mul3A_106] : memref<6784xi32, #tpu.memory_space<vmem>> -> memref<128xi32, #tpu.memory_space<vmem>>
          %dma_wait3A_118 = arith.constant 0 : i32
          %dma_wait3A_119 = arith.constant 0 : i32
          %dma_wait3A_120 = tpu.memref_slice %arg12[%dma_wait3A_118, %dma_wait3A_119] : memref<10240x128xf32, #tpu.memory_space<vmem_shared>> -> memref<10240x128xf32, #tpu.memory_space<vmem_shared>>
          tpu.wait_indirect_dma semaphore(%run_scoped3A : memref<!tpu.dma_semaphore, #tpu.memory_space<semaphore_mem>>) src(%arg9 : memref<128x128xf32, #tpu.memory_space<vmem>>) dst(%dma_wait3A_120 : memref<10240x128xf32, #tpu.memory_space<vmem_shared>>)
          tpu.yield
        }) : () -> ()
        "tpu.region"() ({
          %run_scoped3A = tpu.sem_alloc : memref<!tpu.dma_semaphore, #tpu.memory_space<semaphore_mem>>
          %dma_start3A_113 = tpu.memref_slice %arg8[%mul3A_106] : memref<6784xi32, #tpu.memory_space<vmem>> -> memref<128xi32, #tpu.memory_space<vmem>>
          %dma_start3A_114 = tpu.memref_slice %arg13[%mul3A_31] : memref<163840xf32, #tpu.memory_space<vmem_shared>> -> memref<10240xf32, #tpu.memory_space<vmem_shared>>
          %dma_start3A_115 = arith.constant 0 : i32
          %dma_start3A_116 = tpu.memref_slice %dma_start3A_114[%dma_start3A_115] : memref<10240xf32, #tpu.memory_space<vmem_shared>> -> memref<10240xf32, #tpu.memory_space<vmem_shared>>
          tpu.enqueue_indirect_dma source(%arg11 : memref<128xf32, #tpu.memory_space<vmem>>) target(%dma_start3A_116 : memref<10240xf32, #tpu.memory_space<vmem_shared>>) offsets(%dma_start3A_113 : memref<128xi32, #tpu.memory_space<vmem>>) semaphore(%run_scoped3A : memref<!tpu.dma_semaphore, #tpu.memory_space<semaphore_mem>>) {add = true}
          %dma_wait3A_117 = tpu.memref_slice %arg8[%mul3A_106] : memref<6784xi32, #tpu.memory_space<vmem>> -> memref<128xi32, #tpu.memory_space<vmem>>
          %dma_wait3A_118 = tpu.memref_slice %arg13[%mul3A_31] : memref<163840xf32, #tpu.memory_space<vmem_shared>> -> memref<10240xf32, #tpu.memory_space<vmem_shared>>
          %dma_wait3A_119 = arith.constant 0 : i32
          %dma_wait3A_120 = tpu.memref_slice %dma_wait3A_118[%dma_wait3A_119] : memref<10240xf32, #tpu.memory_space<vmem_shared>> -> memref<10240xf32, #tpu.memory_space<vmem_shared>>
          tpu.wait_indirect_dma semaphore(%run_scoped3A : memref<!tpu.dma_semaphore, #tpu.memory_space<semaphore_mem>>) src(%arg11 : memref<128xf32, #tpu.memory_space<vmem>>) dst(%dma_wait3A_120 : memref<10240xf32, #tpu.memory_space<vmem_shared>>)
          tpu.yield
        }) : () -> ()
      }
      %scan3A_97 = arith.constant 9 : i32
    } else {
    }
    %barrier3A_79 = arith.constant 0 : index
    tpu.barrier barrier_id(%barrier3A_79)
    "tpu.region"() ({
      %run_scoped3A = tpu.sem_alloc : memref<!tpu.dma_semaphore, #tpu.memory_space<semaphore_mem>>
      %dma_start3A = arith.constant 0 : i32
      %dma_start3A_80 = tpu.memref_slice %arg5[%arg0, %mul3A_19, %dma_start3A] : memref<2x10240x128xf32, #tpu.memory_space<hbm>> -> memref<1x640x128xf32, #tpu.memory_space<hbm>>
      %dma_start3A_81 = tpu.memref_squeeze %dma_start3A_80 : memref<1x640x128xf32, #tpu.memory_space<hbm>> -> memref<640x128xf32, #tpu.memory_space<hbm>>
      %dma_start3A_82 = arith.constant 0 : i32
      %dma_start3A_83 = tpu.memref_slice %arg12[%mul3A_19, %dma_start3A_82] : memref<10240x128xf32, #tpu.memory_space<vmem_shared>> -> memref<640x128xf32, #tpu.memory_space<vmem_shared>>
      tpu.enqueue_dma source(%dma_start3A_83 : memref<640x128xf32, #tpu.memory_space<vmem_shared>>) target(%dma_start3A_81 : memref<640x128xf32, #tpu.memory_space<hbm>>) target_semaphore(%run_scoped3A : memref<!tpu.dma_semaphore, #tpu.memory_space<semaphore_mem>>)
      %dma_wait3A = arith.constant 0 : i32
      %dma_wait3A_84 = tpu.memref_slice %arg5[%arg0, %mul3A_19, %dma_wait3A] : memref<2x10240x128xf32, #tpu.memory_space<hbm>> -> memref<1x640x128xf32, #tpu.memory_space<hbm>>
      %dma_wait3A_85 = tpu.memref_squeeze %dma_wait3A_84 : memref<1x640x128xf32, #tpu.memory_space<hbm>> -> memref<640x128xf32, #tpu.memory_space<hbm>>
      %dma_wait3A_86 = arith.constant 0 : i32
      %dma_wait3A_87 = tpu.memref_slice %arg12[%mul3A_19, %dma_wait3A_86] : memref<10240x128xf32, #tpu.memory_space<vmem_shared>> -> memref<640x128xf32, #tpu.memory_space<vmem_shared>>
      tpu.wait_dma2 semaphore(%run_scoped3A : memref<!tpu.dma_semaphore, #tpu.memory_space<semaphore_mem>>) src(%dma_wait3A_87 : memref<640x128xf32, #tpu.memory_space<vmem_shared>>) dst(%dma_wait3A_85 : memref<640x128xf32, #tpu.memory_space<hbm>>)
      tpu.yield
    }) : () -> ()
    "tpu.region"() ({
      %run_scoped3A = tpu.sem_alloc : memref<!tpu.dma_semaphore, #tpu.memory_space<semaphore_mem>>
      %dma_start3A = arith.constant 0 : i32
      %dma_start3A_80 = tpu.memref_slice %arg6[%add3A, %dma_start3A] : memref<32x10240xf32, #tpu.memory_space<hbm>> -> memref<1x10240xf32, #tpu.memory_space<hbm>>
      %dma_start3A_81 = tpu.memref_squeeze %dma_start3A_80 : memref<1x10240xf32, #tpu.memory_space<hbm>> -> memref<10240xf32, #tpu.memory_space<hbm>>
      %dma_start3A_82 = tpu.memref_slice %arg13[%mul3A_31] : memref<163840xf32, #tpu.memory_space<vmem_shared>> -> memref<10240xf32, #tpu.memory_space<vmem_shared>>
      tpu.enqueue_dma source(%dma_start3A_82 : memref<10240xf32, #tpu.memory_space<vmem_shared>>) target(%dma_start3A_81 : memref<10240xf32, #tpu.memory_space<hbm>>) target_semaphore(%run_scoped3A : memref<!tpu.dma_semaphore, #tpu.memory_space<semaphore_mem>>)
      %dma_wait3A = arith.constant 0 : i32
      %dma_wait3A_83 = tpu.memref_slice %arg6[%add3A, %dma_wait3A] : memref<32x10240xf32, #tpu.memory_space<hbm>> -> memref<1x10240xf32, #tpu.memory_space<hbm>>
      %dma_wait3A_84 = tpu.memref_squeeze %dma_wait3A_83 : memref<1x10240xf32, #tpu.memory_space<hbm>> -> memref<10240xf32, #tpu.memory_space<hbm>>
      %dma_wait3A_85 = tpu.memref_slice %arg13[%mul3A_31] : memref<163840xf32, #tpu.memory_space<vmem_shared>> -> memref<10240xf32, #tpu.memory_space<vmem_shared>>
      tpu.wait_dma2 semaphore(%run_scoped3A : memref<!tpu.dma_semaphore, #tpu.memory_space<semaphore_mem>>) src(%dma_wait3A_85 : memref<10240xf32, #tpu.memory_space<vmem_shared>>) dst(%dma_wait3A_84 : memref<10240xf32, #tpu.memory_space<hbm>>)
      tpu.yield
    }) : () -> ()
    return
  }
}

module attributes {stable_mosaic.version = 14 : i64} {
  func.func @body(%arg0: i32, %arg1: memref<2048x128xf32, #tpu.memory_space<vmem>>, %arg2: memref<256x128xf32, #tpu.memory_space<vmem>>, %arg3: memref<1x128xf32, #tpu.memory_space<vmem>>, %arg4: memref<2x2048x128xf32, #tpu.memory_space<vmem>>, %arg5: memref<32x2048xf32, #tpu.memory_space<vmem>>, %arg6: memref<2048x128xf32, #tpu.memory_space<vmem>>) attributes {dimension_semantics = [#tpu.dimension_semantics<arbitrary>], iteration_bounds = array<i64: 5>, scalar_prefetch = 0 : i64, scratch_operands = 0 : i64, tpu.core_type = #tpu.core_type<tc>, window_params = [{transform_indices = @transform_0, window_bounds = array<i64: 2048, 128>}, {pipeline_mode = #tpu.pipeline_mode<synchronous>, transform_indices = @transform_1, window_bounds = array<i64: 256, 128>}, {pipeline_mode = #tpu.pipeline_mode<synchronous>, transform_indices = @transform_2, window_bounds = array<i64: 1, 128>}, {transform_indices = @transform_3, window_bounds = array<i64: 2, 2048, 128>}, {transform_indices = @transform_4, window_bounds = array<i64: 32, 2048>}, {transform_indices = @transform_5, window_bounds = array<i64: 2048, 128>}]} {
    %get3A = arith.constant 0 : index
    %get3A_0 = arith.constant 0 : index
    %get3A_1 = vector.load %arg1[%get3A, %get3A_0] : memref<2048x128xf32, #tpu.memory_space<vmem>>, vector<2048x128xf32>
    %get3A_2 = arith.constant 0 : index
    %get3A_3 = arith.constant 0 : index
    %get3A_4 = arith.constant 0 : index
    %get3A_5 = vector.load %arg4[%get3A_2, %get3A_3, %get3A_4] : memref<2x2048x128xf32, #tpu.memory_space<vmem>>, vector<1x2048x128xf32>
    %get3A_6 = vector.shape_cast %get3A_5 : vector<1x2048x128xf32> to vector<2048x128xf32>
    %get3A_7 = arith.constant 1 : index
    %get3A_8 = arith.constant 0 : index
    %get3A_9 = arith.constant 0 : index
    %get3A_10 = vector.load %arg4[%get3A_7, %get3A_8, %get3A_9] : memref<2x2048x128xf32, #tpu.memory_space<vmem>>, vector<1x2048x128xf32>
    %get3A_11 = vector.shape_cast %get3A_10 : vector<1x2048x128xf32> to vector<2048x128xf32>
    %add3A = arith.addf %get3A_6, %get3A_11 : vector<2048x128xf32>
    %get3A_12 = arith.constant 0 : index
    %get3A_13 = arith.constant 0 : index
    %get3A_14 = vector.load %arg5[%get3A_12, %get3A_13] : memref<32x2048xf32, #tpu.memory_space<vmem>>, vector<32x2048xf32>
    %reduce_sum3A = arith.constant dense<0.000000e+00> : vector<2048xf32>
    %reduce_sum3A_15 = vector.multi_reduction <add>, %get3A_14, %reduce_sum3A [0] : vector<32x2048xf32> to vector<2048xf32>
    %jit3A = arith.constant 1.000000e+00 : f32
    %max3A = vector.broadcast %jit3A : f32 to vector<2048xf32>
    %max3A_16 = arith.maximumf %max3A, %reduce_sum3A_15 : vector<2048xf32>
    %broadcast_in_dim3A = vector.shape_cast %max3A_16 : vector<2048xf32> to vector<2048x1xf32>
    %div3A = vector.broadcast %broadcast_in_dim3A : vector<2048x1xf32> to vector<2048x128xf32>
    %div3A_17 = arith.divf %add3A, %div3A : vector<2048x128xf32>
    %get3A_18 = arith.constant 0 : index
    %get3A_19 = arith.constant 0 : index
    %get3A_20 = vector.load %arg2[%get3A_18, %get3A_19] : memref<256x128xf32, #tpu.memory_space<vmem>>, vector<128x128xf32>
    %get3A_21 = arith.constant 128 : index
    %get3A_22 = arith.constant 0 : index
    %get3A_23 = vector.load %arg2[%get3A_21, %get3A_22] : memref<256x128xf32, #tpu.memory_space<vmem>>, vector<128x128xf32>
    %dot_general3A = arith.constant dense<0.000000e+00> : vector<2048x128xf32>
    %dot_general3A_24 = tpu.matmul %get3A_1, %get3A_20, %dot_general3A {dimension_numbers = #tpu.dot_dimension_numbers<[1], [0], [0], [1], [0, 0, 1, 1], [], []>, transpose_lhs_hint = false} : vector<2048x128xf32>, vector<128x128xf32>, vector<2048x128xf32> -> vector<2048x128xf32>
    %dot_general3A_25 = arith.constant dense<0.000000e+00> : vector<2048x128xf32>
    %dot_general3A_26 = tpu.matmul %div3A_17, %get3A_23, %dot_general3A_25 {dimension_numbers = #tpu.dot_dimension_numbers<[1], [0], [0], [1], [0, 0, 1, 1], [], []>, transpose_lhs_hint = false} : vector<2048x128xf32>, vector<128x128xf32>, vector<2048x128xf32> -> vector<2048x128xf32>
    %add3A_27 = arith.addf %dot_general3A_24, %dot_general3A_26 : vector<2048x128xf32>
    %get3A_28 = arith.constant 0 : index
    %get3A_29 = arith.constant 0 : index
    %get3A_30 = vector.load %arg3[%get3A_28, %get3A_29] : memref<1x128xf32, #tpu.memory_space<vmem>>, vector<1x128xf32>
    %add3A_31 = vector.broadcast %get3A_30 : vector<1x128xf32> to vector<2048x128xf32>
    %add3A_32 = arith.addf %add3A_27, %add3A_31 : vector<2048x128xf32>
    %swap3A = arith.constant 0 : index
    %swap3A_33 = arith.constant 0 : index
    %swap3A_34 = vector.load %arg6[%swap3A, %swap3A_33] : memref<2048x128xf32, #tpu.memory_space<vmem>>, vector<2048x128xf32>
    tpu.vector_store %arg6[%swap3A, %swap3A_33], %add3A_32 {strides = array<i32>} : memref<2048x128xf32, #tpu.memory_space<vmem>>, vector<2048x128xf32>,
    return
  }
  func.func @transform_0(%arg0: i32) -> (i32, i32) {
    %c0_i32 = arith.constant 0 : i32
    %c0_i32_0 = arith.constant 0 : i32
    return %arg0, %c0_i32 : i32, i32
  }
  func.func @transform_1(%arg0: i32) -> (i32, i32) {
    %c0_i32 = arith.constant 0 : i32
    %c0_i32_0 = arith.constant 0 : i32
    %c0_i32_1 = arith.constant 0 : i32
    return %c0_i32, %c0_i32_0 : i32, i32
  }
  func.func @transform_2(%arg0: i32) -> (i32, i32) {
    %c0_i32 = arith.constant 0 : i32
    %c0_i32_0 = arith.constant 0 : i32
    %c0_i32_1 = arith.constant 0 : i32
    return %c0_i32, %c0_i32_0 : i32, i32
  }
  func.func @transform_3(%arg0: i32) -> (i32, i32, i32) {
    %c0_i32 = arith.constant 0 : i32
    %c0_i32_0 = arith.constant 0 : i32
    %c0_i32_1 = arith.constant 0 : i32
    return %c0_i32, %arg0, %c0_i32_0 : i32, i32, i32
  }
  func.func @transform_4(%arg0: i32) -> (i32, i32) {
    %c0_i32 = arith.constant 0 : i32
    %c0_i32_0 = arith.constant 0 : i32
    return %c0_i32, %arg0 : i32, i32
  }
  func.func @transform_5(%arg0: i32) -> (i32, i32) {
    %c0_i32 = arith.constant 0 : i32
    %c0_i32_0 = arith.constant 0 : i32
    return %arg0, %c0_i32 : i32, i32
  }
}

</mosaic_0001>

<sc_bundles>
// kernel: kernel.4.cloned.1.call-start
scs
__scs_entry_jumppad:
0x0: {  	(pc) =	sbr.rel $0x88, $3  }
0x1: {  	(tag) =	ssettag $0x0;
	lr =	simm.s32 $0x1  }
0x2: {  	[smem:$0x3F9D] =	sst lr;
	_ =	strace $0xD0000000  }
0x3: {  	_ = 	snop  }
0x4: {  	_ = 	snop  }
0x5: {  	_ = 	snop  }
0x6: {  	_ = 	snop  }
0x7: {  	_ = 	snop  }
__scs_overlays_trampoline_lowered:
0x8: {  	[smem:$0x3FAC] =	sst s0  }
0x9: {  	[smem:$0x3FAD] =	sst s1  }
0xa: {  	[smem:$0x3FAE] =	sst s2  }
0xb: {  	[smem:$0x3FAF] =	sst s3  }
0xc: {  	[smem:$0x3FB0] =	sst s4  }
0xd: {  	[smem:$0x3FB1] =	sst s5  }
0xe: {  	[smem:$0x3FB2] =	sst s6  }
0xf: {  	[smem:$0x3FB3] =	sst s7  }
0x10: {  	[smem:$0x3FB4] =	sst s8  }
0x11: {  	[smem:$0x3FB5] =	sst s9;
	s0 =	simm.s32 @!p0 $0x0  }
0x12: {  	s1 =	sld [smem:$0x3F9B];
	s0 =	simm.s32 @p0 $0x1  }
0x13: {  	[smem:$0x3FB6] =	sst s0;
	s0 =	simm.s32 @!p1 $0x0  }
0x14: {  	s2 =	sld [smem:$0x3F9A];
	s0 =	simm.s32 @p1 $0x1  }
0x15: {  	[smem:$0x3FB7] =	sst s0;
	s0 =	simm.s32 @!p2 $0x0  }
0x16: {  	s3 =	sld [smem:$0x3FDB];
	s0 =	simm.s32 @p2 $0x1  }
0x17: {  	s4 =	simm.s32 $0x1BF5;
	[smem:$0x3FB9] =	sst s0  }
0x18: {  	s0 =	sld [smem:$0x3F9C];
	_ =	swait.ge [sflag:s4], $0x0  }
0x19: {  	s7 =	sld [smem:$0x3F9D]  }
0x1a: {  	s8 =	sadd.s32 $0xFFFFE003, lr  }
0x1b: {  	s9 =	sadd.s32 $0xFFFFFEF7, lr;
	s5 =	simm.s32 $0xFFFFFFFF;
	p2 =	slt.u32 s8, $0xFFFFF086  }
0x1c: {  	p1 =	slt.u32 s9, $0xF7A;
	s5 =	simm.s32 @!p2 $0x0  }
0x1d: {  	s5 =	simm.s32 @p1 $0x1;
	p0 =	seq.s32 s7, s2  }
0x1e: {  	s7 =	smul.u32 @!p0 $0xF7A, s2;
	p2 =	seq.s32 @!p0 s5, $0x0  }
0x1f: {  	s9 =	smul.u32 $0xF7A, s1;
	s8 =	simm.s32 @!p0 $0x1BF5;
	p2 =	por !p2, p0  }
0x20: {  	[sflag:s8] =	ssyncset.s32 @!p0 $0xFFFFF086;
	s6 =	sadd.s32 @!p0 s3, s7;
	s7 =	simm.s32 @!p0 $0x108  }
0x21: {  	s3 =	sadd.s32 s3, s9;
	s6 =	sadd.s32 @!p0 $0x88, s6;
	s7 =	simm.s32 @p2 $0x1082  }
0x22: {  	[simem:s7], [sflag:s8] =	dma.local @!p0 [hbm:s6], $0xF7A  }
0x23: {  	s9 =	sor.u32 $0xD0000000, s2;
	s6 =	simm.s32 $0x108;
	_ =	swait.ge @!p0 [sflag:s8], $0x0  }
0x24: {  	s3 =	sadd.s32 $0x88, s3;
	s6 =	simm.s32 @!p1 $0x1082;
	[sflag:s4] =	ssyncset.s32 $0xFFFFF086  }
0x25: {  	[simem:s6], [sflag:s4] =	dma.local [hbm:s3], $0xF7A  }
0x26: {  	[smem:$0x3F9D] =	sst s1;
	(tag) =	ssettag s2;
	_ =	strace s9  }
0x27: {  	s1 =	sld [smem:$0x3FAD]  }
0x28: {  	s2 =	sld [smem:$0x3FAE]  }
0x29: {  	s4 =	sld [smem:$0x3FB0]  }
0x2a: {  	p0 =	seq.s32 s5, $0x0;
	s5 =	sld [smem:$0x3FB1]  }
0x2b: {  	s6 =	sld [smem:$0x3FB2]  }
0x2c: {  	s7 =	sld [smem:$0x3FB3]  }
0x2d: {  	s3 =	simm.s32 $0x108;
	s8 =	sld [smem:$0x3FB4]  }
0x2e: {  	s3 =	simm.s32 @!p0 $0x1082;
	s9 =	sld [smem:$0x3FB5]  }
0x2f: {  	lr =	sadd.s32 s0, s3;
	s0 =	sld [smem:$0x3FAC]  }
0x30: {  	s3 =	sld [smem:$0x3FAF]  }
0x31: {  	[smem:$0x3FB8] =	sst s10  }
0x32: {  	s10 =	sld [smem:$0x3FB6];
	_ =	sdelay $0x3  }
0x33: {  	p0 =	seq.s32 s10, $0x1;
	s10 =	sld [smem:$0x3FB8];
	_ =	sdelay $0x3  }
0x34: {  	[smem:$0x3FB8] =	sst s10  }
0x35: {  	s10 =	sld [smem:$0x3FB7];
	_ =	sdelay $0x3  }
0x36: {  	p1 =	seq.s32 s10, $0x1;
	s10 =	sld [smem:$0x3FB8];
	_ =	sdelay $0x3  }
0x37: {  	[smem:$0x3FB8] =	sst s10  }
0x38: {  	s10 =	sld [smem:$0x3FB9]  }
0x39: {  	_ = 	snop;
	(pc) =	sbr.ind lr, $3  }
0x3a: {  	_ = 	snop  }
0x3b: {  	_ = 	snop  }
0x3c: {  	p2 =	seq.s32 s10, $0x1;
	s10 =	sld [smem:$0x3FB8]  }
0x3d: {  	_ =	shalt  }
0x3e: {  	_ =	shalt  }
0x3f: {  	_ =	shalt  }
0x40: {  	_ =	shalt  }
0x41: {  	_ =	shalt  }
0x42: {  	_ =	shalt  }
0x43: {  	_ =	shalt  }
0x44: {  	_ =	shalt  }
0x45: {  	_ =	shalt  }
0x46: {  	_ =	shalt  }
0x47: {  	_ =	shalt  }
0x48: {  	_ =	shalt  }
0x49: {  	_ =	shalt  }
0x4a: {  	_ =	shalt  }
0x4b: {  	_ =	shalt  }
0x4c: {  	_ =	shalt  }
0x4d: {  	_ =	shalt  }
0x4e: {  	_ =	shalt  }
0x4f: {  	_ =	shalt  }
0x50: {  	_ =	shalt  }
0x51: {  	_ =	shalt  }
0x52: {  	_ =	shalt  }
0x53: {  	_ =	shalt  }
0x54: {  	_ =	shalt  }
0x55: {  	_ =	shalt  }
0x56: {  	_ =	shalt  }
0x57: {  	_ =	shalt  }
0x58: {  	_ =	shalt  }
0x59: {  	_ =	shalt  }
0x5a: {  	_ =	shalt  }
0x5b: {  	_ =	shalt  }
0x5c: {  	_ =	shalt  }
0x5d: {  	_ =	shalt  }
0x5e: {  	_ =	shalt  }
0x5f: {  	_ =	shalt  }
0x60: {  	_ =	shalt  }
0x61: {  	_ =	shalt  }
0x62: {  	_ =	shalt  }
0x63: {  	_ =	shalt  }
0x64: {  	_ =	shalt  }
0x65: {  	_ =	shalt  }
0x66: {  	_ =	shalt  }
0x67: {  	_ =	shalt  }
0x68: {  	_ =	shalt  }
0x69: {  	_ =	shalt  }
0x6a: {  	_ =	shalt  }
0x6b: {  	_ =	shalt  }
0x6c: {  	_ =	shalt  }
0x6d: {  	_ =	shalt  }
0x6e: {  	_ =	shalt  }
0x6f: {  	_ =	shalt  }
0x70: {  	_ =	shalt  }
0x71: {  	_ =	shalt  }
0x72: {  	_ =	shalt  }
0x73: {  	_ =	shalt  }
0x74: {  	_ =	shalt  }
0x75: {  	_ =	shalt  }
0x76: {  	_ =	shalt  }
0x77: {  	_ =	shalt  }
0x78: {  	_ =	shalt  }
0x79: {  	_ =	shalt  }
0x7a: {  	_ =	shalt  }
0x7b: {  	_ =	shalt  }
0x7c: {  	_ =	shalt  }
0x7d: {  	_ =	shalt  }
0x7e: {  	_ =	shalt  }
0x7f: {  	_ =	shalt  }
0x80: {  	_ =	shalt  }
0x81: {  	_ =	shalt  }
0x82: {  	_ =	shalt  }
0x83: {  	_ =	shalt  }
0x84: {  	_ =	shalt  }
0x85: {  	_ =	shalt  }
0x86: {  	_ =	shalt  }
0x87: {  	_ =	shalt  }
.Lfunc_end0:
.L_simem_size_0:
called_computation_lowered:
.L_overlay_start_0:
0x88: {  	s2 =	sld [smem:$0x3FD9]  }
0x89: {  	s3 =	sld [smem:$0x3FFE];
	_ =	sdelay $0x1  }
0x8a: {  	s1 =	srdreg.scid  }
0x8b: {  	s0 =	sand.u32 $0x1, s1  }
0x8c: {  	s17 =	sshll.u32 s0, $0xA;
	s2 =	sadd.s32 s3, s2  }
0x8d: {  	s2 =	sadd.s32 s2, s17  }
0x8e: {  	[smem:$0x3FC4] =	sst s2  }
0x8f: {  	_ = 	snop  }
0x90: {  	s2 =	sld [smem:$0x3FD0];
	(tm) =	ssettm $0x1  }
0x91: {  	s18 =	sld [smem:$0x3FFB];
	_ =	sdelay $0x3  }
0x92: {  	_ =	strace s18  }
0x93: {  	s3 =	sld [smem:$0x3FFC];
	_ =	sdelay $0x3  }
0x94: {  	_ =	strace s3  }
0x95: {  	s3 =	sld [smem:$0x3FFD];
	_ =	sdelay $0x3  }
0x96: {  	_ =	strace s3  }
0x97: {  	_ =	strace $0x8FFFFFFF  }
0x98: {  	s19 =	sld [smem:$0x3FDB];
	_ =	sdelay $0x1  }
0x99: {  	s4 =	simm.s32 $_scs_section_size  }
0x9a: {  	s5 =	simm.s32 $_size__tile_overlayer_lowered;
	s6 =	simm.s32 $_tile_overlayer_lowered  }
0x9b: {  	s22 =	simm.s32 $0x1BFF;
	s21 =	sshll.u32 s6, $0x1;
	s3 =	sadd.s32 s4, s19  }
0x9c: {  	s7 =	simm.s32 $0x0;
	s20 =	sshll.u32 s5, $0x1;
	s5 =	sadd.s32 s21, s3  }
0x9d: {  	[timem:s7], [sflag:s22] =	dma.local [hbm:s5], s20  }
0x9e: {  	_ =	swait.ge [sflag:s22], s20  }
0x9f: {  	s4 =	ssub.s32 $0x0, s20;
	[sflag:s22] =	ssyncset.done $0x0  }
0xa0: {  	[sflag:s22] =	ssyncadd.s32 s4;
	_ =	sdelay $0x1  }
0xa1: {  	s23 =	simm.s32 $0x1B8B  }
0xa2: {  	_ =	swait.ge [sflag:s23], $0x1  }
0xa3: {  	[sflag:s23] =	ssyncset.done $0x0  }
0xa4: {  	s25 =	simm.s32 $0x1B8E;
	s24 =	sld [smem:$0x3FFE];
	[sflag:s23] =	ssyncadd.s32 $0xFFFFFFFF  }
0xa5: {  	s26 =	simm.s32 $execute0_lowered;
	[smem:$0x3FD2] =	sst s25  }
0xa6: {  	s5 =	sshll.u32 s26, $0x1;
	_ =	strace $0x80000046;
	[dreg:$0x1] =	wrdreg $0xFFFFFFFF  }
0xa7: {  	s28 =	simm.s32 $_size_execute0_lowered;
	s3 =	sadd.s32 s3, s5;
	[dreg:$0x0] =	wrdreg $0x0  }
0xa8: {  	s5 =	sshll.u32 s28, $0x1;
	[dreg:$0x2] =	wrdreg s3  }
0xa9: {  	[dreg:$0x3] =	wrdreg s5  }
0xaa: {  	[dreg:$0x4] =	wrdreg $0xC0  }
0xab: {  	_ =	task [dreg:s7], $0x5FFFF  }
0xac: {  	[dreg:$0x1] =	wrdreg $0xFFFFFFFF  }
0xad: {  	[dreg:$0x0] =	wrdreg $0x60  }
0xae: {  	[dreg:$0x2] =	wrdreg s24  }
0xaf: {  	[dreg:$0x3] =	wrdreg s2  }
0xb0: {  	[dreg:$0x4] =	wrdreg $0x77800  }
0xb1: {  	[dreg:$0x5] =	wrdreg $0x1B7800  }
0xb2: {  	[dreg:$0x6] =	wrdreg $0x9  }
0xb3: {  	_ =	task.clear_ibuf [dreg:s7], $0x7FFFF;
	_ =	strace $0x90000046  }
0xb4: {  	s29 =	simm.s32 $0x9;
	_ =	strace $0x80000048  }
0xb5: {  	_ =	swait.ge [sflag:s29], $0x1  }
0xb6: {  	[sflag:s29] =	ssyncadd.s32 $0xFFFFFFFF  }
0xb7: {  	_ =	strace $0x90000048  }
0xb8: {  	_ =	sfence  }
0xb9: {  	s30 =	sld [smem:$0x0];
	_ =	sdelay $0x2  }
0xba: {  	s31 =	sshll.u32 s1, $0xD;
	s1 =	sshrl.u32 s1, $0x2  }
0xbb: {  	s3 =	sand.u32 $0x4000, s31;
	s1 =	sadd.s32 s1, s30  }
0xbc: {  	s0 =	sor.u32 s3, s0;
	s1 =	sshll.u32 s1, $0x11  }
0xbd: {  	s0 =	sor.u32 s1, s0  }
0xbe: {  	s0 =	sadd.s32 $0x8F2B, s0  }
0xbf: {  	[sflag:s0] =	ssyncadd.remote.s32 $0x1  }
0xc0: {  	_ =	sfence.sel $0xFFFF  }
0xc1: {  	[dreg:$0x0] =	wrdreg $0xFFFFFFFF;
	(pc) =	sbr.abs _section_cstart, $3  }
0xc2: {  	[dreg:$0x1] =	wrdreg $0xFFFFFFFF  }
0xc3: {  	_ =	task.clear_ibuf [dreg:s7], $0x2FFFF;
	_ =	strace $0x9FFFFFFF  }
0xc4: {  	(tm) =	ssettm $0x7FFFFFFF  }
0xc5: {  	_ =	shalt  }
tec
execute0_lowered:
.L_overlay_start_1:
0x0: {  	(tag) =	ssettag $0x1  }
0x1: {  	s0 =	rddreg [dreg:$0x0]  }
0x2: {  	s2 =	rddreg [dreg:$0x1]  }
0x3: {  	s1 =	rddreg [dreg:$0x2]  }
0x4: {  	s3 =	rddreg [dreg:$0x3];
	s13 =	stileid.u32  }
0x5: {  	s4 =	srdreg.scid;
	s7 =	smul.u32 $0x14000, s13  }
0x6: {  	s21 =	simm.s32 $0x0;
	s6 =	sand.u32 $0x1, s4;
	s22 =	smul.u32 $0x50000, s13  }
0x7: {  	[smem:$0x7FF] =	sst s21;
	s4 =	sadd.s32 $0x14E00, s0;
	s11 =	smul.u32 $0xA000, s13  }
0x8: {  	s9 =	sadd.s32 $0xB000, s0;
	s10 =	sadd.s32 $0x1200, s0;
	s26 =	smul.u32 $0x4E80, s13  }
0x9: {  	s21 =	sshrl.u32 s13, $0x2;
	s13 =	sshll.u32 s13, $0x8;
	s5 =	smul.u32 $0x140000, s6  }
0xa: {  	_ =	strace $0x80000047;
	s8 =	ssub.s32 $0x2, s6;
	p0 =	seq.s32 s6, $0x1  }
0xb: {  	s6 =	sshll.u32 s6, $0x7;
	s13 =	sand.u32 $0x300, s13;
	s5 =	sadd.s32 s7, s5  }
0xc: {  	s12 =	sshrl.u32 s8, $0x1;
	s24 =	sshrl.u32 s11, $0x2;
	s5 =	sshrl.u32 s5, $0x3  }
0xd: {  	s6 =	sor.u32 s6, s13;
	s7 =	sshrl.u32 s22, $0x2;
	s0 =	sadd.s32 s5, s0  }
0xe: {  	s5 =	sadd.s32 s7, s1;
	s7 =	ssub.s32 s8, s12;
	s8 =	sadd.s32 s24, s3  }
0xf: {  	s3 =	sshrl.u32 s26, $0x3;
	s23 =	sadd.s32 $0x4000, s5;
	s25 =	sadd.s32 $0x8000, s5  }
0x10: {  	s12 =	sadd.s32 $0xC000, s5;
	s14 =	sadd.s32 $0x10000, s5;
	s15 =	sadd.s32 $0x200, s8  }
0x11: {  	s16 =	sadd.s32 $0x400, s8;
	s17 =	sadd.s32 s9, s3;
	[dreg:$0x5] =	wrdreg s23  }
0x12: {  	s18 =	sadd.s32 s10, s3;
	s19 =	sadd.s32 $0x350, s3;
	[dreg:$0x6] =	wrdreg s25  }
0x13: {  	s22 =	sadd.s32 $0x5F0, s3;
	s3 =	sadd.s32 $0x940, s3;
	[dreg:$0x7] =	wrdreg s12  }
0x14: {  	s24 =	sadd.s32 $0x600, s8;
	s0 =	sadd.s32 $0x3CE00, s0;
	[dreg:$0x8] =	wrdreg s14  }
0x15: {  	s26 =	smax.u32 s7, $0x1;
	s28 =	sadd.s32 $0xC00, s8;
	[dreg:$0x9] =	wrdreg s15  }
0x16: {  	s29 =	sadd.s32 $0xE00, s8;
	s30 =	sadd.s32 $0x1000, s8;
	[dreg:$0xa] =	wrdreg s16  }
0x17: {  	s31 =	sadd.s32 $0x1200, s8;
	s13 =	sadd.s32 $0x1600, s8;
	[dreg:$0xb] =	wrdreg s17  }
0x18: {  	s7 =	simm.s32 $0x7500;
	[dreg:$0xc] =	wrdreg s18;
	s20 =	sadd.s32 s9, s19  }
0x19: {  	s12 =	smul.u32 $0x14000, s21;
	s11 =	sadd.s32 s10, s19;
	[dreg:$0x13] =	wrdreg s24  }
0x1a: {  	s23 =	sadd.s32 s9, s22;
	s9 =	sadd.s32 s9, s3;
	[dreg:$0x16] =	wrdreg s0  }
0x1b: {  	s3 =	sadd.s32 s10, s3;
	s25 =	sadd.s32 $0x800, s8;
	[dreg:$0x17] =	wrdreg s26  }
0x1c: {  	s26 =	sadd.s32 $0xA00, s8;
	s0 =	sadd.s32 $0x1400, s8;
	[dreg:$0xd] =	wrdreg s20  }
0x1d: {  	s14 =	sadd.s32 $0x1800, s8;
	s15 =	sadd.s32 $0x1A00, s8;
	[dreg:$0xe] =	wrdreg s11  }
0x1e: {  	s16 =	sadd.s32 $0x1C00, s8;
	s17 =	sadd.s32 $0x1E00, s8;
	[dreg:$0xf] =	wrdreg s23  }
0x1f: {  	s18 =	sadd.s32 $0x2000, s8;
	s19 =	sadd.s32 $0x2200, s8;
	[dreg:$0x11] =	wrdreg s9  }
0x20: {  	s21 =	simm.s32 $0x0;
	s11 =	sadd.s32 s10, s22;
	[dreg:$0x12] =	wrdreg s3  }
.Ltmp0:
0x21: {  	[dreg:$0x15] =	wrdreg s25;
	s20 =	sadd.s32 $0x2400, s8;
	(pc) =	sbr.rel .LBB2_1-.Ltmp0, $4  }
0x22: {  	s3 =	simm.s32 $0x3500;
	s9 =	simm.s32 $0x1A80;
	s6 =	sor.u32 s12, s6  }
0x23: {  	s10 =	simm.s32 $0x80;
	[dreg:$0x10] =	wrdreg s11;
	s6 =	sshrl.u32 s6, $0x3  }
0x24: {  	s11 =	simm.s32 $0x1;
	s12 =	simm.s32 $0x7700;
	s2 =	sadd.s32 s2, s6  }
0x25: {  	v0 =	vimm.f32 $0.0e+00;
	v1 =	vimm.f32 $1.000000000e+00;
	s6 =	simm.s32 $0x2;
	[dreg:$0x14] =	wrdreg s2;
	s2 =	sadd.s32 $0x2600, s8  }
.LBB2_8:
0x26: {  	s22 =	sshra.s32 s22, $0x2;
	[sflag:s6] =	ssyncadd.s32 $0xFFFFFF80  }
0x27: {  	[tilespmem:s3], [sflag:$0x1] =	stream.indirect.gather [hbm4b:s4+s10], $0x80, s22, s10, $0xb8;
	[tilespmem:$0x1DF80] =	vst v63  }
0x28: {  	_ =	swait.ge [sflag:s11], $0x4000  }
0x29: {  	[sflag:s11] =	ssyncset.done $0x0  }
0x2a: {  	s22 =	sadd.s32 $0x1A80, s22;
	[sflag:s11] =	ssyncadd.s32 $0xFFFFC000  }
0x2b: {  	[spmem:s1] =	stream.indirect.scatter.add.f32 [tilespmem:s3], [sflag:$0x2], $0x80, s22, s10, $0xb8;
	[tilespmem:$0x1DF80] =	vst v63  }
0x2c: {  	_ =	swait.ge [sflag:s6], $0x4000  }
0x2d: {  	[sflag:s6] =	ssyncset.done $0x0  }
0x2e: {  	[sflag:s6] =	ssyncadd.s32 $0xFFFFC000  }
0x2f: {  	[spmem:s8] =	stream.indirect.scatter.add.f32 [tilespmem:s12], [sflag:$0x2], $0x1, s22, s10, $0xb8;
	[tilespmem:$0x1DF80] =	vst v63  }
0x30: {  	_ =	swait.ge [sflag:s6], $0x80  }
0x31: {  	[sflag:s6] =	ssyncset.done $0x0  }
0x32: {  	[sflag:s6] =	ssyncadd.s32 $0xFFFFFF80  }
.LBB2_12:
0x33: {  	s22 =	stileid.u32  }
0x34: {  	[bflag:$0x0] =	sbarrier.arrive $0xFFFF;
	s22 =	sshll.u32 s22, $0x6  }
0x35: {  	s23 =	sshrl.u32 s5, $0x3;
	s24 =	rddreg [dreg:$0x16];
	s22 =	sor.u32 $0x1C02, s22  }
0x36: {  	[hbm:s24], [sflag:s22] =	dma.local [spmem:s23], $0x2800  }
0x37: {  	_ =	swait.ge [sflag:s6], $0x2800  }
0x38: {  	s25 =	simm.s32 $0x10;
	[sflag:s6] =	ssyncset.done $0x0  }
0x39: {  	s23 =	sshrl.u32 s8, $0x3;
	s24 =	rddreg [dreg:$0x14];
	[sflag:s6] =	ssyncadd.s32 $0xFFFFD800  }
0x3a: {  	[hbm:s24@s10], [sflag:s22] =	dma.strided [spmem:s23@s25], $0x500, s11, $0x10   }
0x3b: {  	_ =	swait.ge [sflag:s6], $0x500  }
0x3c: {  	s21 =	sadd.s32 $0x1, s21;
	s25 =	rddreg [dreg:$0x17]  }
0x3d: {  	p1 =	sne.s32 s21, s25  }
.Ltmp1:
0x3e: {  	_ = 	snop;
	(pc) =	sbr.rel @!p1 .LBB2_13-.Ltmp1, $3  }
0x3f: {  	_ =	sdelay $0x1  }
0x40: {  	[sflag:s6] =	ssyncset.done $0x0  }
0x41: {  	[sflag:s6] =	ssyncadd.s32 $0xFFFFFB00  }
.LBB2_1:
0x42: {  	s22 =	simm.s32 $0x0;
	s23 =	simm.s32 $0x200  }
.LBB2_2:
0x43: {  	p1 =	sne.s32 s23, $0xFE00;
	[tilespmem:s22+$0x3570] =	vst v0  }
0x44: {  	[tilespmem:s22+$0x3500] =	vst v0  }
0x45: {  	[tilespmem:s22+$0x3510] =	vst v0  }
.Ltmp2:
0x46: {  	[tilespmem:s22+$0x3520] =	vst v0;
	(pc) =	sbr.rel @p1 .LBB2_2-.Ltmp2, $4  }
0x47: {  	[tilespmem:s22+$0x3530] =	vst v0  }
0x48: {  	[tilespmem:s22+$0x3540] =	vst v0  }
0x49: {  	[tilespmem:s22+$0x3550] =	vst v0  }
0x4a: {  	[tilespmem:s22+$0x3560] =	vst v0;
	s22 =	sshra.s32 s23, $0x2;
	s23 =	sadd.s32 $0x200, s23  }
0x4b: {  	[tilespmem:s22+$0x3570] =	vst v0  }
0x4c: {  	[tilespmem:s22+$0x3500] =	vst v0  }
0x4d: {  	[tilespmem:s22+$0x3510] =	vst v0  }
0x4e: {  	[tilespmem:s22+$0x3520] =	vst v0  }
0x4f: {  	[tilespmem:s22+$0x3530] =	vst v0  }
0x50: {  	[tilespmem:s22+$0x3540] =	vst v0  }
0x51: {  	[tilespmem:s22+$0x3550] =	vst v0  }
0x52: {  	[tilespmem:s22+$0x3560] =	vst v0  }
0x53: {  	[tilespmem:$0x7500] =	vst v0  }
0x54: {  	[tilespmem:$0x7510] =	vst v0  }
0x55: {  	[tilespmem:$0x7520] =	vst v0  }
0x56: {  	[tilespmem:$0x7530] =	vst v0  }
0x57: {  	[tilespmem:$0x7540] =	vst v0  }
0x58: {  	[tilespmem:$0x7550] =	vst v0  }
0x59: {  	[tilespmem:$0x7560] =	vst v0  }
0x5a: {  	[tilespmem:$0x7570] =	vst v0  }
0x5b: {  	[tilespmem:$0x7580] =	vst v0  }
0x5c: {  	[tilespmem:$0x7590] =	vst v0  }
0x5d: {  	[tilespmem:$0x75A0] =	vst v0  }
0x5e: {  	[tilespmem:$0x75B0] =	vst v0  }
0x5f: {  	[tilespmem:$0x75C0] =	vst v0  }
0x60: {  	[tilespmem:$0x75D0] =	vst v0  }
0x61: {  	[tilespmem:$0x75E0] =	vst v0  }
0x62: {  	[tilespmem:$0x75F0] =	vst v0  }
0x63: {  	[tilespmem:$0x7600] =	vst v0  }
0x64: {  	[tilespmem:$0x7610] =	vst v0  }
0x65: {  	[tilespmem:$0x7620] =	vst v0  }
0x66: {  	[tilespmem:$0x7630] =	vst v0  }
0x67: {  	[tilespmem:$0x7640] =	vst v0  }
0x68: {  	[tilespmem:$0x7650] =	vst v0  }
0x69: {  	[tilespmem:$0x7660] =	vst v0  }
0x6a: {  	[tilespmem:$0x7670] =	vst v0  }
0x6b: {  	[tilespmem:$0x7680] =	vst v0  }
0x6c: {  	[tilespmem:$0x7690] =	vst v0  }
0x6d: {  	[tilespmem:$0x76A0] =	vst v0  }
0x6e: {  	[tilespmem:$0x76B0] =	vst v0  }
0x6f: {  	[tilespmem:$0x76C0] =	vst v0  }
0x70: {  	[tilespmem:$0x76D0] =	vst v0  }
0x71: {  	[tilespmem:$0x76E0] =	vst v0  }
0x72: {  	[tilespmem:$0x76F0] =	vst v0  }
0x73: {  	[tilespmem:$0x7700] =	vst v1  }
0x74: {  	[tilespmem:$0x7710] =	vst v1  }
0x75: {  	[tilespmem:$0x7720] =	vst v1  }
0x76: {  	[tilespmem:$0x7730] =	vst v1  }
0x77: {  	[tilespmem:$0x7740] =	vst v1  }
0x78: {  	[tilespmem:$0x7750] =	vst v1  }
0x79: {  	[tilespmem:$0x7760] =	vst v1  }
0x7a: {  	[tilespmem:$0x7770] =	vst v1  }
0x7b: {  	[spmem:s5] =	stream.linear.scatter [tilespmem:s3], [sflag:$0x2], $0x4000, $0x38;
	[tilespmem:$0x1DF80] =	vst v63  }
0x7c: {  	_ =	swait.ge [sflag:s6], $0x4000  }
0x7d: {  	[sflag:s6] =	ssyncset.done $0x0  }
0x7e: {  	s24 =	rddreg [dreg:$0x5];
	[sflag:s6] =	ssyncadd.s32 $0xFFFFC000  }
0x7f: {  	[spmem:s24] =	stream.linear.scatter [tilespmem:s3], [sflag:$0x2], $0x4000, $0x38;
	[tilespmem:$0x1DF80] =	vst v63  }
0x80: {  	_ =	swait.ge [sflag:s6], $0x4000  }
0x81: {  	[sflag:s6] =	ssyncset.done $0x0  }
0x82: {  	s25 =	rddreg [dreg:$0x6];
	[sflag:s6] =	ssyncadd.s32 $0xFFFFC000  }
0x83: {  	[spmem:s25] =	stream.linear.scatter [tilespmem:s3], [sflag:$0x2], $0x4000, $0x38;
	[tilespmem:$0x1DF80] =	vst v63  }
0x84: {  	_ =	swait.ge [sflag:s6], $0x4000  }
0x85: {  	[sflag:s6] =	ssyncset.done $0x0  }
0x86: {  	s23 =	rddreg [dreg:$0x7];
	[sflag:s6] =	ssyncadd.s32 $0xFFFFC000  }
0x87: {  	[spmem:s23] =	stream.linear.scatter [tilespmem:s3], [sflag:$0x2], $0x4000, $0x38;
	[tilespmem:$0x1DF80] =	vst v63  }
0x88: {  	_ =	swait.ge [sflag:s6], $0x4000  }
0x89: {  	[sflag:s6] =	ssyncset.done $0x0  }
0x8a: {  	s24 =	rddreg [dreg:$0x8];
	[sflag:s6] =	ssyncadd.s32 $0xFFFFC000  }
0x8b: {  	[spmem:s24] =	stream.linear.scatter [tilespmem:s3], [sflag:$0x2], $0x4000, $0x38;
	[tilespmem:$0x1DF80] =	vst v63  }
0x8c: {  	_ =	swait.ge [sflag:s6], $0x4000  }
0x8d: {  	[sflag:s6] =	ssyncset.done $0x0  }
0x8e: {  	[sflag:s6] =	ssyncadd.s32 $0xFFFFC000  }
0x8f: {  	[spmem:s8] =	stream.linear.scatter [tilespmem:s7], [sflag:$0x2], $0x200, $0x38;
	[tilespmem:$0x1DF80] =	vst v63  }
0x90: {  	_ =	swait.ge [sflag:s6], $0x200  }
0x91: {  	[sflag:s6] =	ssyncset.done $0x0  }
0x92: {  	s25 =	rddreg [dreg:$0x9];
	[sflag:s6] =	ssyncadd.s32 $0xFFFFFE00  }
0x93: {  	[spmem:s25] =	stream.linear.scatter [tilespmem:s7], [sflag:$0x2], $0x200, $0x38;
	[tilespmem:$0x1DF80] =	vst v63  }
0x94: {  	_ =	swait.ge [sflag:s6], $0x200  }
0x95: {  	[sflag:s6] =	ssyncset.done $0x0  }
0x96: {  	s23 =	rddreg [dreg:$0xa];
	[sflag:s6] =	ssyncadd.s32 $0xFFFFFE00  }
0x97: {  	[spmem:s23] =	stream.linear.scatter [tilespmem:s7], [sflag:$0x2], $0x200, $0x38;
	[tilespmem:$0x1DF80] =	vst v63  }
0x98: {  	_ =	swait.ge [sflag:s6], $0x200  }
0x99: {  	[sflag:s6] =	ssyncset.done $0x0  }
0x9a: {  	s24 =	rddreg [dreg:$0x13];
	[sflag:s6] =	ssyncadd.s32 $0xFFFFFE00  }
0x9b: {  	[spmem:s24] =	stream.linear.scatter [tilespmem:s7], [sflag:$0x2], $0x200, $0x38;
	[tilespmem:$0x1DF80] =	vst v63  }
0x9c: {  	_ =	swait.ge [sflag:s6], $0x200  }
0x9d: {  	[sflag:s6] =	ssyncset.done $0x0  }
0x9e: {  	s25 =	rddreg [dreg:$0x15];
	[sflag:s6] =	ssyncadd.s32 $0xFFFFFE00  }
0x9f: {  	[spmem:s25] =	stream.linear.scatter [tilespmem:s7], [sflag:$0x2], $0x200, $0x38;
	[tilespmem:$0x1DF80] =	vst v63  }
0xa0: {  	_ =	swait.ge [sflag:s6], $0x200  }
0xa1: {  	[sflag:s6] =	ssyncset.done $0x0  }
0xa2: {  	[sflag:s6] =	ssyncadd.s32 $0xFFFFFE00  }
0xa3: {  	[spmem:s26] =	stream.linear.scatter [tilespmem:s7], [sflag:$0x2], $0x200, $0x38;
	[tilespmem:$0x1DF80] =	vst v63  }
0xa4: {  	_ =	swait.ge [sflag:s6], $0x200  }
0xa5: {  	[sflag:s6] =	ssyncset.done $0x0  }
0xa6: {  	[sflag:s6] =	ssyncadd.s32 $0xFFFFFE00  }
0xa7: {  	[spmem:s28] =	stream.linear.scatter [tilespmem:s7], [sflag:$0x2], $0x200, $0x38;
	[tilespmem:$0x1DF80] =	vst v63  }
0xa8: {  	_ =	swait.ge [sflag:s6], $0x200  }
0xa9: {  	[sflag:s6] =	ssyncset.done $0x0  }
0xaa: {  	[sflag:s6] =	ssyncadd.s32 $0xFFFFFE00  }
0xab: {  	[spmem:s29] =	stream.linear.scatter [tilespmem:s7], [sflag:$0x2], $0x200, $0x38;
	[tilespmem:$0x1DF80] =	vst v63  }
0xac: {  	_ =	swait.ge [sflag:s6], $0x200  }
0xad: {  	[sflag:s6] =	ssyncset.done $0x0  }
0xae: {  	[sflag:s6] =	ssyncadd.s32 $0xFFFFFE00  }
0xaf: {  	[spmem:s30] =	stream.linear.scatter [tilespmem:s7], [sflag:$0x2], $0x200, $0x38;
	[tilespmem:$0x1DF80] =	vst v63  }
0xb0: {  	_ =	swait.ge [sflag:s6], $0x200  }
0xb1: {  	[sflag:s6] =	ssyncset.done $0x0  }
0xb2: {  	[sflag:s6] =	ssyncadd.s32 $0xFFFFFE00  }
0xb3: {  	[spmem:s31] =	stream.linear.scatter [tilespmem:s7], [sflag:$0x2], $0x200, $0x38;
	[tilespmem:$0x1DF80] =	vst v63  }
0xb4: {  	_ =	swait.ge [sflag:s6], $0x200  }
0xb5: {  	[sflag:s6] =	ssyncset.done $0x0  }
0xb6: {  	[sflag:s6] =	ssyncadd.s32 $0xFFFFFE00  }
0xb7: {  	[spmem:s0] =	stream.linear.scatter [tilespmem:s7], [sflag:$0x2], $0x200, $0x38;
	[tilespmem:$0x1DF80] =	vst v63  }
0xb8: {  	_ =	swait.ge [sflag:s6], $0x200  }
0xb9: {  	[sflag:s6] =	ssyncset.done $0x0  }
0xba: {  	[sflag:s6] =	ssyncadd.s32 $0xFFFFFE00  }
0xbb: {  	[spmem:s13] =	stream.linear.scatter [tilespmem:s7], [sflag:$0x2], $0x200, $0x38;
	[tilespmem:$0x1DF80] =	vst v63  }
0xbc: {  	_ =	swait.ge [sflag:s6], $0x200  }
0xbd: {  	[sflag:s6] =	ssyncset.done $0x0  }
0xbe: {  	[sflag:s6] =	ssyncadd.s32 $0xFFFFFE00  }
0xbf: {  	[spmem:s14] =	stream.linear.scatter [tilespmem:s7], [sflag:$0x2], $0x200, $0x38;
	[tilespmem:$0x1DF80] =	vst v63  }
0xc0: {  	_ =	swait.ge [sflag:s6], $0x200  }
0xc1: {  	[sflag:s6] =	ssyncset.done $0x0  }
0xc2: {  	[sflag:s6] =	ssyncadd.s32 $0xFFFFFE00  }
0xc3: {  	[spmem:s15] =	stream.linear.scatter [tilespmem:s7], [sflag:$0x2], $0x200, $0x38;
	[tilespmem:$0x1DF80] =	vst v63  }
0xc4: {  	_ =	swait.ge [sflag:s6], $0x200  }
0xc5: {  	[sflag:s6] =	ssyncset.done $0x0  }
0xc6: {  	[sflag:s6] =	ssyncadd.s32 $0xFFFFFE00  }
0xc7: {  	[spmem:s16] =	stream.linear.scatter [tilespmem:s7], [sflag:$0x2], $0x200, $0x38;
	[tilespmem:$0x1DF80] =	vst v63  }
0xc8: {  	_ =	swait.ge [sflag:s6], $0x200  }
0xc9: {  	[sflag:s6] =	ssyncset.done $0x0  }
0xca: {  	[sflag:s6] =	ssyncadd.s32 $0xFFFFFE00  }
0xcb: {  	[spmem:s17] =	stream.linear.scatter [tilespmem:s7], [sflag:$0x2], $0x200, $0x38;
	[tilespmem:$0x1DF80] =	vst v63  }
0xcc: {  	_ =	swait.ge [sflag:s6], $0x200  }
0xcd: {  	[sflag:s6] =	ssyncset.done $0x0  }
0xce: {  	[sflag:s6] =	ssyncadd.s32 $0xFFFFFE00  }
0xcf: {  	[spmem:s18] =	stream.linear.scatter [tilespmem:s7], [sflag:$0x2], $0x200, $0x38;
	[tilespmem:$0x1DF80] =	vst v63  }
0xd0: {  	_ =	swait.ge [sflag:s6], $0x200  }
0xd1: {  	[sflag:s6] =	ssyncset.done $0x0  }
0xd2: {  	[sflag:s6] =	ssyncadd.s32 $0xFFFFFE00  }
0xd3: {  	[spmem:s19] =	stream.linear.scatter [tilespmem:s7], [sflag:$0x2], $0x200, $0x38;
	[tilespmem:$0x1DF80] =	vst v63  }
0xd4: {  	_ =	swait.ge [sflag:s6], $0x200  }
0xd5: {  	[sflag:s6] =	ssyncset.done $0x0  }
0xd6: {  	[sflag:s6] =	ssyncadd.s32 $0xFFFFFE00  }
0xd7: {  	[spmem:s20] =	stream.linear.scatter [tilespmem:s7], [sflag:$0x2], $0x200, $0x38;
	[tilespmem:$0x1DF80] =	vst v63  }
0xd8: {  	_ =	swait.ge [sflag:s6], $0x200  }
0xd9: {  	[sflag:s6] =	ssyncset.done $0x0  }
0xda: {  	[sflag:s6] =	ssyncadd.s32 $0xFFFFFE00  }
0xdb: {  	[spmem:s2] =	stream.linear.scatter [tilespmem:s7], [sflag:$0x2], $0x200, $0x38;
	[tilespmem:$0x1DF80] =	vst v63  }
.Ltmp3:
0xdc: {  	_ =	swait.ge [sflag:s6], $0x200;
	(pc) =	sbr.rel @!p0 .LBB2_4-.Ltmp3, $4  }
0xdd: {  	[sflag:s6] =	ssyncset.done $0x0  }
0xde: {  	[sflag:s6] =	ssyncadd.s32 $0xFFFFFE00  }
0xdf: {  	[bflag:$0x0] =	sbarrier.arrive $0xFFFF  }
0xe0: {  	s22 =	simm.s32 $0x0  }
0xe1: {  	s23 =	rddreg [dreg:$0xf]  }
0xe2: {  	[tilespmem:s22], [sflag:$0x2] =	stream.linear.gather [hbm4b:s23+s22], $0x1A80, $0x38;
	[tilespmem:$0x1DF80] =	vst v63  }
0xe3: {  	_ =	swait.ge [sflag:s6], $0x1A80  }
0xe4: {  	[sflag:s6] =	ssyncset.done $0x0  }
0xe5: {  	s25 =	rddreg [dreg:$0x10];
	[sflag:s6] =	ssyncadd.s32 $0xFFFFE580  }
0xe6: {  	[tilespmem:s9], [sflag:$0x2] =	stream.linear.gather [hbm4b:s25+s22], $0x1A80, $0x38;
	[tilespmem:$0x1DF80] =	vst v63  }
0xe7: {  	_ =	swait.ge [sflag:s6], $0x1A80  }
0xe8: {  	[sflag:s6] =	ssyncset.done $0x0  }
0xe9: {  	s24 =	simm.s32 $0x0;
	[sflag:s6] =	ssyncadd.s32 $0xFFFFE580  }
0xea: {  	[tilespmem:s3], [sflag:$0x1] =	stream.indirect.gather [hbm4b:s4+s10], $0x80, s24, s10, $0xb8;
	[tilespmem:$0x1DF80] =	vst v63  }
0xeb: {  	_ =	swait.ge [sflag:s11], $0x4000  }
0xec: {  	[sflag:s11] =	ssyncset.done $0x0  }
0xed: {  	s25 =	simm.s32 $0x1A80;
	[sflag:s11] =	ssyncadd.s32 $0xFFFFC000  }
0xee: {  	[spmem:s1] =	stream.indirect.scatter.add.f32 [tilespmem:s3], [sflag:$0x2], $0x80, s25, s10, $0xb8;
	[tilespmem:$0x1DF80] =	vst v63  }
0xef: {  	_ =	swait.ge [sflag:s6], $0x4000  }
0xf0: {  	[sflag:s6] =	ssyncset.done $0x0  }
0xf1: {  	[sflag:s6] =	ssyncadd.s32 $0xFFFFC000  }
0xf2: {  	[spmem:s8] =	stream.indirect.scatter.add.f32 [tilespmem:s12], [sflag:$0x2], $0x1, s25, s10, $0xb8;
	[tilespmem:$0x1DF80] =	vst v63  }
0xf3: {  	_ =	swait.ge [sflag:s6], $0x80  }
0xf4: {  	s23 =	simm.s32 $0x400;
	s22 =	simm.s32 $0x200;
	[sflag:s6] =	ssyncset.done $0x0  }
.LBB2_10:
0xf5: {  	s24 =	sshra.s32 s22, $0x2  }
0xf6: {  	[sflag:s6] =	ssyncadd.s32 $0xFFFFFF80;
	s22 =	smov.u32 s23;
	s25 =	sadd.s32 $0x200, s23  }
0xf7: {  	[tilespmem:s3], [sflag:$0x1] =	stream.indirect.gather [hbm4b:s4+s10], $0x80, s24, s10, $0xb8;
	[tilespmem:$0x1DF80] =	vst v63  }
0xf8: {  	p1 =	sne.s32 s23, $0x6800;
	_ =	swait.ge [sflag:s11], $0x4000  }
0xf9: {  	[sflag:s11] =	ssyncset.done $0x0  }
0xfa: {  	s23 =	sadd.s32 $0x1A80, s24;
	[sflag:s11] =	ssyncadd.s32 $0xFFFFC000  }
0xfb: {  	[spmem:s1] =	stream.indirect.scatter.add.f32 [tilespmem:s3], [sflag:$0x2], $0x80, s23, s10, $0xb8;
	[tilespmem:$0x1DF80] =	vst v63  }
0xfc: {  	_ =	swait.ge [sflag:s6], $0x4000  }
.Ltmp4:
0xfd: {  	[sflag:s6] =	ssyncset.done $0x0;
	(pc) =	sbr.rel @p1 .LBB2_10-.Ltmp4, $4  }
0xfe: {  	[sflag:s6] =	ssyncadd.s32 $0xFFFFC000  }
0xff: {  	[spmem:s8] =	stream.indirect.scatter.add.f32 [tilespmem:s12], [sflag:$0x2], $0x1, s23, s10, $0xb8;
	[tilespmem:$0x1DF80] =	vst v63  }
0x100: {  	_ =	swait.ge [sflag:s6], $0x80  }
0x101: {  	s23 =	smov.u32 s25;
	[sflag:s6] =	ssyncset.done $0x0  }
0x102: {  	s22 =	sshra.s32 s22, $0x2;
	[sflag:s6] =	ssyncadd.s32 $0xFFFFFF80  }
0x103: {  	[tilespmem:s3], [sflag:$0x1] =	stream.indirect.gather [hbm4b:s4+s10], $0x80, s22, s10, $0xb8;
	[tilespmem:$0x1DF80] =	vst v63  }
0x104: {  	_ =	swait.ge [sflag:s11], $0x4000  }
0x105: {  	[sflag:s11] =	ssyncset.done $0x0  }
0x106: {  	s22 =	sadd.s32 $0x1A80, s22;
	[sflag:s11] =	ssyncadd.s32 $0xFFFFC000  }
0x107: {  	[spmem:s1] =	stream.indirect.scatter.add.f32 [tilespmem:s3], [sflag:$0x2], $0x80, s22, s10, $0xb8;
	[tilespmem:$0x1DF80] =	vst v63  }
0x108: {  	_ =	swait.ge [sflag:s6], $0x4000  }
0x109: {  	[sflag:s6] =	ssyncset.done $0x0  }
0x10a: {  	[sflag:s6] =	ssyncadd.s32 $0xFFFFC000  }
0x10b: {  	[spmem:s8] =	stream.indirect.scatter.add.f32 [tilespmem:s12], [sflag:$0x2], $0x1, s22, s10, $0xb8;
	[tilespmem:$0x1DF80] =	vst v63  }
0x10c: {  	_ =	swait.ge [sflag:s6], $0x80  }
0x10d: {  	[sflag:s6] =	ssyncset.done $0x0  }
0x10e: {  	s24 =	simm.s32 $0x0;
	s23 =	rddreg [dreg:$0x11];
	[sflag:s6] =	ssyncadd.s32 $0xFFFFFF80  }
0x10f: {  	[tilespmem:s24], [sflag:$0x2] =	stream.linear.gather [hbm4b:s23+s24], $0x480, $0x38;
	[tilespmem:$0x1DF80] =	vst v63  }
0x110: {  	_ =	swait.ge [sflag:s6], $0x480  }
0x111: {  	[sflag:s6] =	ssyncset.done $0x0  }
0x112: {  	s25 =	rddreg [dreg:$0x12];
	[sflag:s6] =	ssyncadd.s32 $0xFFFFFB80  }
0x113: {  	[tilespmem:s9], [sflag:$0x2] =	stream.linear.gather [hbm4b:s25+s24], $0x480, $0x38;
	[tilespmem:$0x1DF80] =	vst v63  }
0x114: {  	_ =	swait.ge [sflag:s6], $0x480  }
0x115: {  	[sflag:s6] =	ssyncset.done $0x0  }
0x116: {  	[sflag:s6] =	ssyncadd.s32 $0xFFFFFB80  }
0x117: {  	[tilespmem:s3], [sflag:$0x1] =	stream.indirect.gather [hbm4b:s4+s10], $0x80, s24, s10, $0xb8;
	[tilespmem:$0x1DF80] =	vst v63  }
0x118: {  	_ =	swait.ge [sflag:s11], $0x4000  }
0x119: {  	[sflag:s11] =	ssyncset.done $0x0  }
0x11a: {  	[sflag:s11] =	ssyncadd.s32 $0xFFFFC000  }
0x11b: {  	[spmem:s1] =	stream.indirect.scatter.add.f32 [tilespmem:s3], [sflag:$0x2], $0x80, s9, s10, $0xb8;
	[tilespmem:$0x1DF80] =	vst v63  }
0x11c: {  	_ =	swait.ge [sflag:s6], $0x4000  }
0x11d: {  	[sflag:s6] =	ssyncset.done $0x0  }
0x11e: {  	[sflag:s6] =	ssyncadd.s32 $0xFFFFC000  }
0x11f: {  	[spmem:s8] =	stream.indirect.scatter.add.f32 [tilespmem:s12], [sflag:$0x2], $0x1, s9, s10, $0xb8;
	[tilespmem:$0x1DF80] =	vst v63  }
0x120: {  	_ =	swait.ge [sflag:s6], $0x80  }
0x121: {  	[sflag:s6] =	ssyncset.done $0x0  }
0x122: {  	[sflag:s6] =	ssyncadd.s32 $0xFFFFFF80  }
0x123: {  	[tilespmem:s3], [sflag:$0x1] =	stream.indirect.gather [hbm4b:s4+s10], $0x80, s10, s10, $0xb8;
	[tilespmem:$0x1DF80] =	vst v63  }
0x124: {  	_ =	swait.ge [sflag:s11], $0x4000  }
0x125: {  	[sflag:s11] =	ssyncset.done $0x0  }
0x126: {  	s23 =	simm.s32 $0x1B00;
	[sflag:s11] =	ssyncadd.s32 $0xFFFFC000  }
0x127: {  	[spmem:s1] =	stream.indirect.scatter.add.f32 [tilespmem:s3], [sflag:$0x2], $0x80, s23, s10, $0xb8;
	[tilespmem:$0x1DF80] =	vst v63  }
0x128: {  	_ =	swait.ge [sflag:s6], $0x4000  }
0x129: {  	[sflag:s6] =	ssyncset.done $0x0  }
0x12a: {  	[sflag:s6] =	ssyncadd.s32 $0xFFFFC000  }
0x12b: {  	[spmem:s8] =	stream.indirect.scatter.add.f32 [tilespmem:s12], [sflag:$0x2], $0x1, s23, s10, $0xb8;
	[tilespmem:$0x1DF80] =	vst v63  }
0x12c: {  	_ =	swait.ge [sflag:s6], $0x80  }
0x12d: {  	[sflag:s6] =	ssyncset.done $0x0  }
0x12e: {  	s24 =	simm.s32 $0x100;
	[sflag:s6] =	ssyncadd.s32 $0xFFFFFF80  }
0x12f: {  	[tilespmem:s3], [sflag:$0x1] =	stream.indirect.gather [hbm4b:s4+s10], $0x80, s24, s10, $0xb8;
	[tilespmem:$0x1DF80] =	vst v63  }
0x130: {  	_ =	swait.ge [sflag:s11], $0x4000  }
0x131: {  	[sflag:s11] =	ssyncset.done $0x0  }
0x132: {  	s25 =	simm.s32 $0x1B80;
	[sflag:s11] =	ssyncadd.s32 $0xFFFFC000  }
0x133: {  	[spmem:s1] =	stream.indirect.scatter.add.f32 [tilespmem:s3], [sflag:$0x2], $0x80, s25, s10, $0xb8;
	[tilespmem:$0x1DF80] =	vst v63  }
0x134: {  	_ =	swait.ge [sflag:s6], $0x4000  }
0x135: {  	[sflag:s6] =	ssyncset.done $0x0  }
0x136: {  	[sflag:s6] =	ssyncadd.s32 $0xFFFFC000  }
0x137: {  	[spmem:s8] =	stream.indirect.scatter.add.f32 [tilespmem:s12], [sflag:$0x2], $0x1, s25, s10, $0xb8;
	[tilespmem:$0x1DF80] =	vst v63  }
0x138: {  	_ =	swait.ge [sflag:s6], $0x80  }
0x139: {  	[sflag:s6] =	ssyncset.done $0x0  }
0x13a: {  	s23 =	simm.s32 $0x180;
	[sflag:s6] =	ssyncadd.s32 $0xFFFFFF80  }
0x13b: {  	[tilespmem:s3], [sflag:$0x1] =	stream.indirect.gather [hbm4b:s4+s10], $0x80, s23, s10, $0xb8;
	[tilespmem:$0x1DF80] =	vst v63  }
0x13c: {  	_ =	swait.ge [sflag:s11], $0x4000  }
0x13d: {  	[sflag:s11] =	ssyncset.done $0x0  }
0x13e: {  	s24 =	simm.s32 $0x1C00;
	[sflag:s11] =	ssyncadd.s32 $0xFFFFC000  }
0x13f: {  	[spmem:s1] =	stream.indirect.scatter.add.f32 [tilespmem:s3], [sflag:$0x2], $0x80, s24, s10, $0xb8;
	[tilespmem:$0x1DF80] =	vst v63  }
0x140: {  	_ =	swait.ge [sflag:s6], $0x4000  }
0x141: {  	[sflag:s6] =	ssyncset.done $0x0  }
0x142: {  	[sflag:s6] =	ssyncadd.s32 $0xFFFFC000  }
0x143: {  	[spmem:s8] =	stream.indirect.scatter.add.f32 [tilespmem:s12], [sflag:$0x2], $0x1, s24, s10, $0xb8;
	[tilespmem:$0x1DF80] =	vst v63  }
0x144: {  	_ =	swait.ge [sflag:s6], $0x80  }
0x145: {  	[sflag:s6] =	ssyncset.done $0x0  }
0x146: {  	s25 =	simm.s32 $0x200;
	[sflag:s6] =	ssyncadd.s32 $0xFFFFFF80  }
0x147: {  	[tilespmem:s3], [sflag:$0x1] =	stream.indirect.gather [hbm4b:s4+s10], $0x80, s25, s10, $0xb8;
	[tilespmem:$0x1DF80] =	vst v63  }
0x148: {  	_ =	swait.ge [sflag:s11], $0x4000  }
0x149: {  	[sflag:s11] =	ssyncset.done $0x0  }
0x14a: {  	s23 =	simm.s32 $0x1C80;
	[sflag:s11] =	ssyncadd.s32 $0xFFFFC000  }
0x14b: {  	[spmem:s1] =	stream.indirect.scatter.add.f32 [tilespmem:s3], [sflag:$0x2], $0x80, s23, s10, $0xb8;
	[tilespmem:$0x1DF80] =	vst v63  }
0x14c: {  	_ =	swait.ge [sflag:s6], $0x4000  }
0x14d: {  	[sflag:s6] =	ssyncset.done $0x0  }
0x14e: {  	[sflag:s6] =	ssyncadd.s32 $0xFFFFC000  }
0x14f: {  	[spmem:s8] =	stream.indirect.scatter.add.f32 [tilespmem:s12], [sflag:$0x2], $0x1, s23, s10, $0xb8;
	[tilespmem:$0x1DF80] =	vst v63  }
0x150: {  	_ =	swait.ge [sflag:s6], $0x80  }
0x151: {  	[sflag:s6] =	ssyncset.done $0x0  }
0x152: {  	s24 =	simm.s32 $0x280;
	[sflag:s6] =	ssyncadd.s32 $0xFFFFFF80  }
0x153: {  	[tilespmem:s3], [sflag:$0x1] =	stream.indirect.gather [hbm4b:s4+s10], $0x80, s24, s10, $0xb8;
	[tilespmem:$0x1DF80] =	vst v63  }
0x154: {  	_ =	swait.ge [sflag:s11], $0x4000  }
0x155: {  	[sflag:s11] =	ssyncset.done $0x0  }
0x156: {  	s25 =	simm.s32 $0x1D00;
	[sflag:s11] =	ssyncadd.s32 $0xFFFFC000  }
0x157: {  	[spmem:s1] =	stream.indirect.scatter.add.f32 [tilespmem:s3], [sflag:$0x2], $0x80, s25, s10, $0xb8;
	[tilespmem:$0x1DF80] =	vst v63  }
0x158: {  	_ =	swait.ge [sflag:s6], $0x4000  }
0x159: {  	[sflag:s6] =	ssyncset.done $0x0  }
0x15a: {  	[sflag:s6] =	ssyncadd.s32 $0xFFFFC000  }
0x15b: {  	[spmem:s8] =	stream.indirect.scatter.add.f32 [tilespmem:s12], [sflag:$0x2], $0x1, s25, s10, $0xb8;
	[tilespmem:$0x1DF80] =	vst v63  }
0x15c: {  	_ =	swait.ge [sflag:s6], $0x80  }
0x15d: {  	[sflag:s6] =	ssyncset.done $0x0  }
0x15e: {  	s23 =	simm.s32 $0x300;
	[sflag:s6] =	ssyncadd.s32 $0xFFFFFF80  }
0x15f: {  	[tilespmem:s3], [sflag:$0x1] =	stream.indirect.gather [hbm4b:s4+s10], $0x80, s23, s10, $0xb8;
	[tilespmem:$0x1DF80] =	vst v63  }
0x160: {  	_ =	swait.ge [sflag:s11], $0x4000  }
0x161: {  	[sflag:s11] =	ssyncset.done $0x0  }
0x162: {  	s24 =	simm.s32 $0x1D80;
	[sflag:s11] =	ssyncadd.s32 $0xFFFFC000  }
0x163: {  	[spmem:s1] =	stream.indirect.scatter.add.f32 [tilespmem:s3], [sflag:$0x2], $0x80, s24, s10, $0xb8;
	[tilespmem:$0x1DF80] =	vst v63  }
0x164: {  	_ =	swait.ge [sflag:s6], $0x4000  }
0x165: {  	[sflag:s6] =	ssyncset.done $0x0  }
0x166: {  	[sflag:s6] =	ssyncadd.s32 $0xFFFFC000  }
0x167: {  	[spmem:s8] =	stream.indirect.scatter.add.f32 [tilespmem:s12], [sflag:$0x2], $0x1, s24, s10, $0xb8;
	[tilespmem:$0x1DF80] =	vst v63  }
0x168: {  	_ =	swait.ge [sflag:s6], $0x80  }
0x169: {  	[sflag:s6] =	ssyncset.done $0x0  }
0x16a: {  	s25 =	simm.s32 $0x380;
	[sflag:s6] =	ssyncadd.s32 $0xFFFFFF80  }
0x16b: {  	[tilespmem:s3], [sflag:$0x1] =	stream.indirect.gather [hbm4b:s4+s10], $0x80, s25, s10, $0xb8;
	[tilespmem:$0x1DF80] =	vst v63  }
0x16c: {  	_ =	swait.ge [sflag:s11], $0x4000  }
0x16d: {  	[sflag:s11] =	ssyncset.done $0x0  }
0x16e: {  	s23 =	simm.s32 $0x1E00;
	[sflag:s11] =	ssyncadd.s32 $0xFFFFC000  }
0x16f: {  	[spmem:s1] =	stream.indirect.scatter.add.f32 [tilespmem:s3], [sflag:$0x2], $0x80, s23, s10, $0xb8;
	[tilespmem:$0x1DF80] =	vst v63  }
0x170: {  	_ =	swait.ge [sflag:s6], $0x4000  }
0x171: {  	[sflag:s6] =	ssyncset.done $0x0  }
0x172: {  	[sflag:s6] =	ssyncadd.s32 $0xFFFFC000  }
0x173: {  	[spmem:s8] =	stream.indirect.scatter.add.f32 [tilespmem:s12], [sflag:$0x2], $0x1, s23, s10, $0xb8;
	[tilespmem:$0x1DF80] =	vst v63  }
0x174: {  	_ =	swait.ge [sflag:s6], $0x80  }
0x175: {  	[sflag:s6] =	ssyncset.done $0x0  }
0x176: {  	s24 =	simm.s32 $0x400;
	[sflag:s6] =	ssyncadd.s32 $0xFFFFFF80  }
0x177: {  	[tilespmem:s3], [sflag:$0x1] =	stream.indirect.gather [hbm4b:s4+s10], $0x80, s24, s10, $0xb8;
	[tilespmem:$0x1DF80] =	vst v63  }
0x178: {  	_ =	swait.ge [sflag:s11], $0x4000  }
0x179: {  	[sflag:s11] =	ssyncset.done $0x0  }
0x17a: {  	s25 =	simm.s32 $0x1E80;
	[sflag:s11] =	ssyncadd.s32 $0xFFFFC000  }
0x17b: {  	[spmem:s1] =	stream.indirect.scatter.add.f32 [tilespmem:s3], [sflag:$0x2], $0x80, s25, s10, $0xb8;
	[tilespmem:$0x1DF80] =	vst v63  }
0x17c: {  	_ =	swait.ge [sflag:s6], $0x4000  }
0x17d: {  	[sflag:s6] =	ssyncset.done $0x0  }
.Ltmp5:
0x17e: {  	[sflag:s6] =	ssyncadd.s32 $0xFFFFC000;
	(pc) =	sbr.rel .LBB2_12-.Ltmp5, $4  }
0x17f: {  	[spmem:s8] =	stream.indirect.scatter.add.f32 [tilespmem:s12], [sflag:$0x2], $0x1, s25, s10, $0xb8;
	[tilespmem:$0x1DF80] =	vst v63  }
0x180: {  	_ =	swait.ge [sflag:s6], $0x80  }
0x181: {  	[sflag:s6] =	ssyncset.done $0x0  }
0x182: {  	[sflag:s6] =	ssyncadd.s32 $0xFFFFFF80  }
.LBB2_4:
0x183: {  	s23 =	rddreg [dreg:$0xb]  }
0x184: {  	[tilespmem:s22], [sflag:$0x2] =	stream.linear.gather [hbm4b:s23+s22], $0x1A80, $0x38;
	[tilespmem:$0x1DF80] =	vst v63  }
0x185: {  	_ =	swait.ge [sflag:s6], $0x1A80  }
0x186: {  	[sflag:s6] =	ssyncset.done $0x0  }
0x187: {  	s25 =	rddreg [dreg:$0xc];
	[sflag:s6] =	ssyncadd.s32 $0xFFFFE580  }
0x188: {  	[tilespmem:s9], [sflag:$0x2] =	stream.linear.gather [hbm4b:s25+s22], $0x1A80, $0x38;
	[tilespmem:$0x1DF80] =	vst v63  }
0x189: {  	_ =	swait.ge [sflag:s6], $0x1A80  }
0x18a: {  	[sflag:s6] =	ssyncset.done $0x0  }
0x18b: {  	s24 =	simm.s32 $0x0;
	[sflag:s6] =	ssyncadd.s32 $0xFFFFE580  }
0x18c: {  	[tilespmem:s3], [sflag:$0x1] =	stream.indirect.gather [hbm4b:s4+s10], $0x80, s24, s10, $0xb8;
	[tilespmem:$0x1DF80] =	vst v63  }
0x18d: {  	_ =	swait.ge [sflag:s11], $0x4000  }
0x18e: {  	[sflag:s11] =	ssyncset.done $0x0  }
0x18f: {  	s25 =	simm.s32 $0x1A80;
	[sflag:s11] =	ssyncadd.s32 $0xFFFFC000  }
0x190: {  	[spmem:s1] =	stream.indirect.scatter.add.f32 [tilespmem:s3], [sflag:$0x2], $0x80, s25, s10, $0xb8;
	[tilespmem:$0x1DF80] =	vst v63  }
0x191: {  	_ =	swait.ge [sflag:s6], $0x4000  }
0x192: {  	[sflag:s6] =	ssyncset.done $0x0  }
0x193: {  	[sflag:s6] =	ssyncadd.s32 $0xFFFFC000  }
0x194: {  	[spmem:s8] =	stream.indirect.scatter.add.f32 [tilespmem:s12], [sflag:$0x2], $0x1, s25, s10, $0xb8;
	[tilespmem:$0x1DF80] =	vst v63  }
0x195: {  	_ =	swait.ge [sflag:s6], $0x80  }
0x196: {  	s23 =	simm.s32 $0x400;
	s22 =	simm.s32 $0x200;
	[sflag:s6] =	ssyncset.done $0x0  }
.LBB2_5:
0x197: {  	s24 =	sshra.s32 s22, $0x2  }
0x198: {  	[sflag:s6] =	ssyncadd.s32 $0xFFFFFF80;
	s22 =	smov.u32 s23;
	s25 =	sadd.s32 $0x200, s23  }
0x199: {  	[tilespmem:s3], [sflag:$0x1] =	stream.indirect.gather [hbm4b:s4+s10], $0x80, s24, s10, $0xb8;
	[tilespmem:$0x1DF80] =	vst v63  }
0x19a: {  	p1 =	sne.s32 s23, $0x6800;
	_ =	swait.ge [sflag:s11], $0x4000  }
0x19b: {  	[sflag:s11] =	ssyncset.done $0x0  }
0x19c: {  	s23 =	sadd.s32 $0x1A80, s24;
	[sflag:s11] =	ssyncadd.s32 $0xFFFFC000  }
0x19d: {  	[spmem:s1] =	stream.indirect.scatter.add.f32 [tilespmem:s3], [sflag:$0x2], $0x80, s23, s10, $0xb8;
	[tilespmem:$0x1DF80] =	vst v63  }
0x19e: {  	_ =	swait.ge [sflag:s6], $0x4000  }
.Ltmp6:
0x19f: {  	[sflag:s6] =	ssyncset.done $0x0;
	(pc) =	sbr.rel @p1 .LBB2_5-.Ltmp6, $4  }
0x1a0: {  	[sflag:s6] =	ssyncadd.s32 $0xFFFFC000  }
0x1a1: {  	[spmem:s8] =	stream.indirect.scatter.add.f32 [tilespmem:s12], [sflag:$0x2], $0x1, s23, s10, $0xb8;
	[tilespmem:$0x1DF80] =	vst v63  }
0x1a2: {  	_ =	swait.ge [sflag:s6], $0x80  }
0x1a3: {  	s23 =	smov.u32 s25;
	[sflag:s6] =	ssyncset.done $0x0  }
0x1a4: {  	s22 =	sshra.s32 s22, $0x2;
	[sflag:s6] =	ssyncadd.s32 $0xFFFFFF80  }
0x1a5: {  	[tilespmem:s3], [sflag:$0x1] =	stream.indirect.gather [hbm4b:s4+s10], $0x80, s22, s10, $0xb8;
	[tilespmem:$0x1DF80] =	vst v63  }
0x1a6: {  	_ =	swait.ge [sflag:s11], $0x4000  }
0x1a7: {  	[sflag:s11] =	ssyncset.done $0x0  }
0x1a8: {  	s22 =	sadd.s32 $0x1A80, s22;
	[sflag:s11] =	ssyncadd.s32 $0xFFFFC000  }
0x1a9: {  	[spmem:s1] =	stream.indirect.scatter.add.f32 [tilespmem:s3], [sflag:$0x2], $0x80, s22, s10, $0xb8;
	[tilespmem:$0x1DF80] =	vst v63  }
0x1aa: {  	_ =	swait.ge [sflag:s6], $0x4000  }
0x1ab: {  	[sflag:s6] =	ssyncset.done $0x0  }
0x1ac: {  	[sflag:s6] =	ssyncadd.s32 $0xFFFFC000  }
0x1ad: {  	[spmem:s8] =	stream.indirect.scatter.add.f32 [tilespmem:s12], [sflag:$0x2], $0x1, s22, s10, $0xb8;
	[tilespmem:$0x1DF80] =	vst v63  }
0x1ae: {  	_ =	swait.ge [sflag:s6], $0x80  }
0x1af: {  	[sflag:s6] =	ssyncset.done $0x0  }
0x1b0: {  	s24 =	simm.s32 $0x0;
	s23 =	rddreg [dreg:$0xd];
	[sflag:s6] =	ssyncadd.s32 $0xFFFFFF80  }
0x1b1: {  	[tilespmem:s24], [sflag:$0x2] =	stream.linear.gather [hbm4b:s23+s24], $0x1500, $0x38;
	[tilespmem:$0x1DF80] =	vst v63  }
0x1b2: {  	_ =	swait.ge [sflag:s6], $0x1500  }
0x1b3: {  	[sflag:s6] =	ssyncset.done $0x0  }
0x1b4: {  	s25 =	rddreg [dreg:$0xe];
	[sflag:s6] =	ssyncadd.s32 $0xFFFFEB00  }
0x1b5: {  	[tilespmem:s9], [sflag:$0x2] =	stream.linear.gather [hbm4b:s25+s24], $0x1500, $0x38;
	[tilespmem:$0x1DF80] =	vst v63  }
0x1b6: {  	_ =	swait.ge [sflag:s6], $0x1500  }
0x1b7: {  	[sflag:s6] =	ssyncset.done $0x0  }
0x1b8: {  	s24 =	simm.s32 $0x0;
	[sflag:s6] =	ssyncadd.s32 $0xFFFFEB00  }
0x1b9: {  	[tilespmem:s3], [sflag:$0x1] =	stream.indirect.gather [hbm4b:s4+s10], $0x80, s24, s10, $0xb8;
	[tilespmem:$0x1DF80] =	vst v63  }
0x1ba: {  	_ =	swait.ge [sflag:s11], $0x4000  }
0x1bb: {  	[sflag:s11] =	ssyncset.done $0x0  }
0x1bc: {  	s25 =	simm.s32 $0x1A80;
	[sflag:s11] =	ssyncadd.s32 $0xFFFFC000  }
0x1bd: {  	[spmem:s1] =	stream.indirect.scatter.add.f32 [tilespmem:s3], [sflag:$0x2], $0x80, s25, s10, $0xb8;
	[tilespmem:$0x1DF80] =	vst v63  }
0x1be: {  	_ =	swait.ge [sflag:s6], $0x4000  }
0x1bf: {  	[sflag:s6] =	ssyncset.done $0x0  }
0x1c0: {  	[sflag:s6] =	ssyncadd.s32 $0xFFFFC000  }
0x1c1: {  	[spmem:s8] =	stream.indirect.scatter.add.f32 [tilespmem:s12], [sflag:$0x2], $0x1, s25, s10, $0xb8;
	[tilespmem:$0x1DF80] =	vst v63  }
0x1c2: {  	_ =	swait.ge [sflag:s6], $0x80  }
0x1c3: {  	s22 =	simm.s32 $0x200;
	s23 =	simm.s32 $0x400;
	[sflag:s6] =	ssyncset.done $0x0  }
.LBB2_7:
0x1c4: {  	s24 =	sshra.s32 s22, $0x2  }
0x1c5: {  	[sflag:s6] =	ssyncadd.s32 $0xFFFFFF80;
	s22 =	smov.u32 s23;
	s25 =	sadd.s32 $0x200, s23  }
0x1c6: {  	[tilespmem:s3], [sflag:$0x1] =	stream.indirect.gather [hbm4b:s4+s10], $0x80, s24, s10, $0xb8;
	[tilespmem:$0x1DF80] =	vst v63  }
0x1c7: {  	p1 =	seq.s32 s23, $0x5200;
	_ =	swait.ge [sflag:s11], $0x4000  }
0x1c8: {  	[sflag:s11] =	ssyncset.done $0x0  }
0x1c9: {  	s23 =	sadd.s32 $0x1A80, s24;
	[sflag:s11] =	ssyncadd.s32 $0xFFFFC000  }
0x1ca: {  	[spmem:s1] =	stream.indirect.scatter.add.f32 [tilespmem:s3], [sflag:$0x2], $0x80, s23, s10, $0xb8;
	[tilespmem:$0x1DF80] =	vst v63  }
0x1cb: {  	_ =	swait.ge [sflag:s6], $0x4000  }
.Ltmp7:
0x1cc: {  	[sflag:s6] =	ssyncset.done $0x0;
	(pc) =	sbr.rel @!p1 .LBB2_7-.Ltmp7, $4  }
0x1cd: {  	[sflag:s6] =	ssyncadd.s32 $0xFFFFC000  }
0x1ce: {  	[spmem:s8] =	stream.indirect.scatter.add.f32 [tilespmem:s12], [sflag:$0x2], $0x1, s23, s10, $0xb8;
	[tilespmem:$0x1DF80] =	vst v63  }
0x1cf: {  	_ =	swait.ge [sflag:s6], $0x80  }
0x1d0: {  	s23 =	smov.u32 s25;
	[sflag:s6] =	ssyncset.done $0x0  }
.Ltmp8:
0x1d1: {  	_ = 	snop;
	(pc) =	sbr.rel .LBB2_8-.Ltmp8, $1  }
0x1d2: {  	_ =	sdelay $0x3  }
.LBB2_13:
0x1d3: {  	_ =	sfence.sel $0x180000  }
0x1d4: {  	[bflag:$0x0] =	sbarrier.arrive $0xFFFF  }
0x1d5: {  	_ =	strace $0x90000047  }
0x1d6: {  	s0 =	stileid.u32;
	[bflag:$0x2] =	sbarrier.arrive $0xFFFF  }
0x1d7: {  	p0 =	sne.s32 s0, $0x0;
	s0 =	rddreg [dreg:$0x4]  }
0x1d8: {  	s0 =	sadd.s32 @!p0 $0x100000, s0  }
0x1d9: {  	[sflag:s0] =	ssyncadd.tile.s32 @!p0 $0x1;
	_ =	shalt  }
.Lfunc_end2:
_tile_overlayer_lowered:
.L_overlay_start_2:
0x1da: {  	(tag) =	ssettag $0x2  }
0x1db: {  	s0 =	rddreg [dreg:$0x0];
	s2 =	stileid.u32  }
0x1dc: {  	s1 =	rddreg [dreg:$0x1];
	p0 =	sne.s32 s2, $0x0  }
0x1dd: {  	s3 =	rddreg [dreg:$0x2];
	[bflag:$0x3] =	sbarrier.arrive $0xFFFF;
	s2 =	simm.s32 @!p0 $0x1C02  }
0x1de: {  	[timem:s3], [sflag:s2] =	dma.local @!p0 [hbm:s0], s1  }
0x1df: {  	s0 =	simm.s32 @!p0 $0x2  }
0x1e0: {  	_ =	swait.ge @!p0 [sflag:s0], s1  }
0x1e1: {  	s1 =	ssub.s32 @!p0 $0x0, s1;
	[sflag:s0] =	ssyncset.done @!p0 $0x0  }
0x1e2: {  	[sflag:s0] =	ssyncadd.s32 @!p0 s1  }
0x1e3: {  	[bflag:$0x3] =	sbarrier.arrive $0xFFFF  }
0x1e4: {  	_ =	shalt  }

</sc_bundles>
